<compile_context>
chip_gen: v7x
topology: tpu7x:2x2x1
jax: 0.10.2.dev20260603
libtpu: 0.0.44.dev20260713+nightly
codegen_flags: <defaults>
</compile_context>

<pallas_src>
import functools

import jax
import jax.numpy as jnp
from jax import lax
from jax.experimental import pallas as pl
from jax.experimental.pallas import tpu as pltpu
from jax.experimental.pallas import tpu_sc as plsc

EMB = 64
SCALE = 8.0
NC, NS, LANES = 2, 16, 16
NW = NC * NS
GATHER_W = 128
CHUNK = 256
NBUF = 4


@functools.cache
def _emb_lookup(B: int):
    b_per_w = B // NW
    n_chunks = b_per_w // CHUNK
    mesh = plsc.VectorSubcoreMesh(core_axis_name="c", subcore_axis_name="s")

    @functools.partial(
        pl.kernel,
        mesh=mesh,
        compiler_params=pltpu.CompilerParams(use_tc_tiling_on_sc=False),
        out_type=jax.ShapeDtypeStruct((B, EMB), jnp.float32),
        scratch_types=[
            pltpu.VMEM((b_per_w,), jnp.int32),
            pltpu.VMEM((NBUF, CHUNK, EMB), jnp.float32),
            pltpu.SemaphoreType.DMA((NBUF,)),
            pltpu.SemaphoreType.DMA((NBUF,)),
        ],
    )
    def k(table_hbm, idx_hbm, out_hbm, idx_v, rows_v, gsem, ssem):
        wid = lax.axis_index("s") * NC + lax.axis_index("c")
        base = wid * b_per_w
        pltpu.sync_copy(idx_hbm.at[pl.ds(base, b_per_w)], idx_v)

        def issue_gather(c, b):
            for g in range(CHUNK // GATHER_W):
                pltpu.async_copy(
                    table_hbm.at[idx_v.at[pl.ds(c * CHUNK + g * GATHER_W, GATHER_W)]],
                    rows_v.at[b, pl.ds(g * GATHER_W, GATHER_W)],
                    gsem.at[b],
                )

        def drain_gather(b):
            pltpu.make_async_copy(
                out_hbm.at[pl.ds(0, CHUNK)], rows_v.at[b], gsem.at[b]
            ).wait()

        def drain_store(b):
            pltpu.make_async_copy(
                rows_v.at[b], out_hbm.at[pl.ds(0, CHUNK)], ssem.at[b]
            ).wait()

        for c in range(NBUF - 1):
            issue_gather(c, c % NBUF)

        @pl.loop(0, n_chunks // NBUF)
        def _(grp):
            for b in range(NBUF):
                c = grp * NBUF + b
                drain_gather(b)

                @pl.loop(0, CHUNK)
                def _(r):
                    for col in range(0, EMB, LANES):
                        rows_v.at[b, r, pl.ds(col, LANES)][...] = (
                            rows_v.at[b, r, pl.ds(col, LANES)][...] * SCALE
                        )

                pltpu.async_copy(
                    rows_v.at[b],
                    out_hbm.at[pl.ds(base + c * CHUNK, CHUNK)],
                    ssem.at[b],
                )
                c2 = c + NBUF - 1
                b2 = (b + NBUF - 1) % NBUF

                @pl.when(c2 < n_chunks)
                def _():
                    @pl.when(c2 >= NBUF)
                    def _():
                        drain_store(b2)

                    issue_gather(c2, b2)

        for b in range(NBUF):
            drain_store(b)

    return k


def kernel(x, table):
    B = x.shape[0] * x.shape[1]
    idx = x.reshape(-1).astype(jnp.int32)
    out = _emb_lookup(B)(table, idx)
    return out.reshape(x.shape[0], x.shape[1], EMB)

# --- scband reference (transcript-rebuilt; emitter-appended) ---
"""Pipeline reference for scband-embedding-block-27281632264687 (READ-ONLY COPY).

The authoritative reference and input builder live on the scoring server;
editing this copy changes nothing except your own understanding.
"""

import jax, jax.numpy as jnp
import numpy as np
import math

VOCAB = 1000000
EMB_DIM = 64

def setup_inputs(seed: int = 0) -> dict:
    key = jax.random.key(seed)
    k1, k2 = jax.random.split(key)
    x = jax.random.randint(k1, (4096, 200), 0, VOCAB, dtype=jnp.int64 if jax.config.jax_enable_x64 else jnp.int32)
    table = jax.random.normal(k2, (VOCAB, EMB_DIM), dtype=jnp.float32)
    return {"x": x, "table": table}

def reference(x, table):
    # Faithful translation of EmbeddingBlock.forward: embedding lookup scaled by sqrt(emb_dim)
    emb = jnp.take(table, x, axis=0)
    return emb * math.sqrt(EMB_DIM)

if __name__ == "__main__":
    import jax
    _d = setup_inputs()
    print(jax.jit(kernel)(*tuple(_d.values())))

</pallas_src>

<mosaic_0001>
#map = affine_map<(d0, d1) -> (0, 0)>
#map1 = affine_map<(d0, d1) -> (0)>
module attributes {stable_mosaic.version = 14 : i64} {
  func.func @k(%arg0: i32, %arg1: i32, %arg2: memref<1000000x64xf32, #tpu.memory_space<hbm>>, %arg3: memref<819200xi32, #tpu.memory_space<hbm>>, %arg4: memref<819200x64xf32, #tpu.memory_space<hbm>>, %arg5: memref<25600xi32, #tpu.memory_space<vmem>>, %arg6: memref<4x256x64xf32, #tpu.memory_space<vmem>>, %arg7: memref<4x!tpu.dma_semaphore, #tpu.memory_space<semaphore_mem>>, %arg8: memref<4x!tpu.dma_semaphore, #tpu.memory_space<semaphore_mem>>) attributes {dimension_semantics = [#tpu.dimension_semantics<core_parallel>, #tpu.dimension_semantics<subcore_parallel>], iteration_bounds = array<i64: 2, 16>, scalar_prefetch = 0 : i64, scratch_operands = 4 : i64, tpu.core_type = #tpu.core_type<sc_vector_subcore>, window_params = [{transform_indices = #map}, {transform_indices = #map1}, {transform_indices = #map}]} {
    %mul3A = arith.constant 2 : i32
    %mul3A_0 = arith.muli %arg1, %mul3A : i32
    %add3A = arith.addi %mul3A_0, %arg0 : i32
    %mul3A_1 = arith.constant 25600 : i32
    %mul3A_2 = arith.muli %add3A, %mul3A_1 : i32
    "tpu.region"() ({
      %run_scoped3A = tpu.sem_alloc : memref<!tpu.dma_semaphore, #tpu.memory_space<semaphore_mem>>
      %dma_start3A_155 = tpu.memref_slice %arg3[%mul3A_2] : memref<819200xi32, #tpu.memory_space<hbm>> -> memref<25600xi32, #tpu.memory_space<hbm>>
      %dma_start3A_156 = tpu.memref_slice %arg3[%mul3A_2] : memref<819200xi32, #tpu.memory_space<hbm>> -> memref<25600xi32, #tpu.memory_space<hbm>>
      tpu.enqueue_dma source(%dma_start3A_156 : memref<25600xi32, #tpu.memory_space<hbm>>) target(%arg5 : memref<25600xi32, #tpu.memory_space<vmem>>) target_semaphore(%run_scoped3A : memref<!tpu.dma_semaphore, #tpu.memory_space<semaphore_mem>>)
      %dma_wait3A_157 = tpu.memref_slice %arg3[%mul3A_2] : memref<819200xi32, #tpu.memory_space<hbm>> -> memref<25600xi32, #tpu.memory_space<hbm>>
      %dma_wait3A_158 = tpu.memref_slice %arg3[%mul3A_2] : memref<819200xi32, #tpu.memory_space<hbm>> -> memref<25600xi32, #tpu.memory_space<hbm>>
      tpu.wait_dma2 semaphore(%run_scoped3A : memref<!tpu.dma_semaphore, #tpu.memory_space<semaphore_mem>>) src(%dma_wait3A_158 : memref<25600xi32, #tpu.memory_space<hbm>>) dst(%arg5 : memref<25600xi32, #tpu.memory_space<vmem>>)
      tpu.yield
    }) : () -> ()
    %dma_start3A = arith.constant 0 : i32
    %dma_start3A_3 = arith.constant 0 : i32
    %dma_start3A_4 = arith.constant 0 : i32
    %dma_start3A_5 = arith.constant 0 : i32
    %dma_start3A_6 = tpu.memref_slice %arg6[%dma_start3A, %dma_start3A_4, %dma_start3A_5] : memref<4x256x64xf32, #tpu.memory_space<vmem>> -> memref<1x128x64xf32, #tpu.memory_space<vmem>>
    %dma_start3A_7 = tpu.memref_squeeze %dma_start3A_6 : memref<1x128x64xf32, #tpu.memory_space<vmem>> -> memref<128x64xf32, #tpu.memory_space<vmem>>
    %dma_start3A_8 = arith.constant 0 : i32
    %dma_start3A_9 = tpu.memref_slice %arg5[%dma_start3A_8] : memref<25600xi32, #tpu.memory_space<vmem>> -> memref<128xi32, #tpu.memory_space<vmem>>
    %dma_start3A_10 = arith.constant 0 : i32
    %dma_start3A_11 = arith.constant 0 : i32
    %dma_start3A_12 = tpu.memref_slice %arg2[%dma_start3A_10, %dma_start3A_11] : memref<1000000x64xf32, #tpu.memory_space<hbm>> -> memref<1000000x64xf32, #tpu.memory_space<hbm>>
    %dma_start3A_13 = tpu.memref_slice %arg7[%dma_start3A_3] : memref<4x!tpu.dma_semaphore, #tpu.memory_space<semaphore_mem>> -> memref<1x!tpu.dma_semaphore, #tpu.memory_space<semaphore_mem>>
    %dma_start3A_14 = tpu.memref_squeeze %dma_start3A_13 : memref<1x!tpu.dma_semaphore, #tpu.memory_space<semaphore_mem>> -> memref<!tpu.dma_semaphore, #tpu.memory_space<semaphore_mem>>
    tpu.enqueue_indirect_dma source(%dma_start3A_12 : memref<1000000x64xf32, #tpu.memory_space<hbm>>) target(%dma_start3A_7 : memref<128x64xf32, #tpu.memory_space<vmem>>) offsets(%dma_start3A_9 : memref<128xi32, #tpu.memory_space<vmem>>) semaphore(%dma_start3A_14 : memref<!tpu.dma_semaphore, #tpu.memory_space<semaphore_mem>>)
    %dma_start3A_15 = arith.constant 0 : i32
    %dma_start3A_16 = arith.constant 0 : i32
    %dma_start3A_17 = arith.constant 128 : i32
    %dma_start3A_18 = arith.constant 0 : i32
    %dma_start3A_19 = tpu.memref_slice %arg6[%dma_start3A_15, %dma_start3A_17, %dma_start3A_18] : memref<4x256x64xf32, #tpu.memory_space<vmem>> -> memref<1x128x64xf32, #tpu.memory_space<vmem>>
    %dma_start3A_20 = tpu.memref_squeeze %dma_start3A_19 : memref<1x128x64xf32, #tpu.memory_space<vmem>> -> memref<128x64xf32, #tpu.memory_space<vmem>>
    %dma_start3A_21 = arith.constant 128 : i32
    %dma_start3A_22 = tpu.memref_slice %arg5[%dma_start3A_21] : memref<25600xi32, #tpu.memory_space<vmem>> -> memref<128xi32, #tpu.memory_space<vmem>>
    %dma_start3A_23 = arith.constant 0 : i32
    %dma_start3A_24 = arith.constant 0 : i32
    %dma_start3A_25 = tpu.memref_slice %arg2[%dma_start3A_23, %dma_start3A_24] : memref<1000000x64xf32, #tpu.memory_space<hbm>> -> memref<1000000x64xf32, #tpu.memory_space<hbm>>
    %dma_start3A_26 = tpu.memref_slice %arg7[%dma_start3A_16] : memref<4x!tpu.dma_semaphore, #tpu.memory_space<semaphore_mem>> -> memref<1x!tpu.dma_semaphore, #tpu.memory_space<semaphore_mem>>
    %dma_start3A_27 = tpu.memref_squeeze %dma_start3A_26 : memref<1x!tpu.dma_semaphore, #tpu.memory_space<semaphore_mem>> -> memref<!tpu.dma_semaphore, #tpu.memory_space<semaphore_mem>>
    tpu.enqueue_indirect_dma source(%dma_start3A_25 : memref<1000000x64xf32, #tpu.memory_space<hbm>>) target(%dma_start3A_20 : memref<128x64xf32, #tpu.memory_space<vmem>>) offsets(%dma_start3A_22 : memref<128xi32, #tpu.memory_space<vmem>>) semaphore(%dma_start3A_27 : memref<!tpu.dma_semaphore, #tpu.memory_space<semaphore_mem>>)
    %dma_start3A_28 = arith.constant 1 : i32
    %dma_start3A_29 = arith.constant 1 : i32
    %dma_start3A_30 = arith.constant 0 : i32
    %dma_start3A_31 = arith.constant 0 : i32
    %dma_start3A_32 = tpu.memref_slice %arg6[%dma_start3A_28, %dma_start3A_30, %dma_start3A_31] : memref<4x256x64xf32, #tpu.memory_space<vmem>> -> memref<1x128x64xf32, #tpu.memory_space<vmem>>
    %dma_start3A_33 = tpu.memref_squeeze %dma_start3A_32 : memref<1x128x64xf32, #tpu.memory_space<vmem>> -> memref<128x64xf32, #tpu.memory_space<vmem>>
    %dma_start3A_34 = arith.constant 256 : i32
    %dma_start3A_35 = tpu.memref_slice %arg5[%dma_start3A_34] : memref<25600xi32, #tpu.memory_space<vmem>> -> memref<128xi32, #tpu.memory_space<vmem>>
    %dma_start3A_36 = arith.constant 0 : i32
    %dma_start3A_37 = arith.constant 0 : i32
    %dma_start3A_38 = tpu.memref_slice %arg2[%dma_start3A_36, %dma_start3A_37] : memref<1000000x64xf32, #tpu.memory_space<hbm>> -> memref<1000000x64xf32, #tpu.memory_space<hbm>>
    %dma_start3A_39 = tpu.memref_slice %arg7[%dma_start3A_29] : memref<4x!tpu.dma_semaphore, #tpu.memory_space<semaphore_mem>> -> memref<1x!tpu.dma_semaphore, #tpu.memory_space<semaphore_mem>>
    %dma_start3A_40 = tpu.memref_squeeze %dma_start3A_39 : memref<1x!tpu.dma_semaphore, #tpu.memory_space<semaphore_mem>> -> memref<!tpu.dma_semaphore, #tpu.memory_space<semaphore_mem>>
    tpu.enqueue_indirect_dma source(%dma_start3A_38 : memref<1000000x64xf32, #tpu.memory_space<hbm>>) target(%dma_start3A_33 : memref<128x64xf32, #tpu.memory_space<vmem>>) offsets(%dma_start3A_35 : memref<128xi32, #tpu.memory_space<vmem>>) semaphore(%dma_start3A_40 : memref<!tpu.dma_semaphore, #tpu.memory_space<semaphore_mem>>)
    %dma_start3A_41 = arith.constant 1 : i32
    %dma_start3A_42 = arith.constant 1 : i32
    %dma_start3A_43 = arith.constant 128 : i32
    %dma_start3A_44 = arith.constant 0 : i32
    %dma_start3A_45 = tpu.memref_slice %arg6[%dma_start3A_41, %dma_start3A_43, %dma_start3A_44] : memref<4x256x64xf32, #tpu.memory_space<vmem>> -> memref<1x128x64xf32, #tpu.memory_space<vmem>>
    %dma_start3A_46 = tpu.memref_squeeze %dma_start3A_45 : memref<1x128x64xf32, #tpu.memory_space<vmem>> -> memref<128x64xf32, #tpu.memory_space<vmem>>
    %dma_start3A_47 = arith.constant 384 : i32
    %dma_start3A_48 = tpu.memref_slice %arg5[%dma_start3A_47] : memref<25600xi32, #tpu.memory_space<vmem>> -> memref<128xi32, #tpu.memory_space<vmem>>
    %dma_start3A_49 = arith.constant 0 : i32
    %dma_start3A_50 = arith.constant 0 : i32
    %dma_start3A_51 = tpu.memref_slice %arg2[%dma_start3A_49, %dma_start3A_50] : memref<1000000x64xf32, #tpu.memory_space<hbm>> -> memref<1000000x64xf32, #tpu.memory_space<hbm>>
    %dma_start3A_52 = tpu.memref_slice %arg7[%dma_start3A_42] : memref<4x!tpu.dma_semaphore, #tpu.memory_space<semaphore_mem>> -> memref<1x!tpu.dma_semaphore, #tpu.memory_space<semaphore_mem>>
    %dma_start3A_53 = tpu.memref_squeeze %dma_start3A_52 : memref<1x!tpu.dma_semaphore, #tpu.memory_space<semaphore_mem>> -> memref<!tpu.dma_semaphore, #tpu.memory_space<semaphore_mem>>
    tpu.enqueue_indirect_dma source(%dma_start3A_51 : memref<1000000x64xf32, #tpu.memory_space<hbm>>) target(%dma_start3A_46 : memref<128x64xf32, #tpu.memory_space<vmem>>) offsets(%dma_start3A_48 : memref<128xi32, #tpu.memory_space<vmem>>) semaphore(%dma_start3A_53 : memref<!tpu.dma_semaphore, #tpu.memory_space<semaphore_mem>>)
    %dma_start3A_54 = arith.constant 2 : i32
    %dma_start3A_55 = arith.constant 2 : i32
    %dma_start3A_56 = arith.constant 0 : i32
    %dma_start3A_57 = arith.constant 0 : i32
    %dma_start3A_58 = tpu.memref_slice %arg6[%dma_start3A_54, %dma_start3A_56, %dma_start3A_57] : memref<4x256x64xf32, #tpu.memory_space<vmem>> -> memref<1x128x64xf32, #tpu.memory_space<vmem>>
    %dma_start3A_59 = tpu.memref_squeeze %dma_start3A_58 : memref<1x128x64xf32, #tpu.memory_space<vmem>> -> memref<128x64xf32, #tpu.memory_space<vmem>>
    %dma_start3A_60 = arith.constant 512 : i32
    %dma_start3A_61 = tpu.memref_slice %arg5[%dma_start3A_60] : memref<25600xi32, #tpu.memory_space<vmem>> -> memref<128xi32, #tpu.memory_space<vmem>>
    %dma_start3A_62 = arith.constant 0 : i32
    %dma_start3A_63 = arith.constant 0 : i32
    %dma_start3A_64 = tpu.memref_slice %arg2[%dma_start3A_62, %dma_start3A_63] : memref<1000000x64xf32, #tpu.memory_space<hbm>> -> memref<1000000x64xf32, #tpu.memory_space<hbm>>
    %dma_start3A_65 = tpu.memref_slice %arg7[%dma_start3A_55] : memref<4x!tpu.dma_semaphore, #tpu.memory_space<semaphore_mem>> -> memref<1x!tpu.dma_semaphore, #tpu.memory_space<semaphore_mem>>
    %dma_start3A_66 = tpu.memref_squeeze %dma_start3A_65 : memref<1x!tpu.dma_semaphore, #tpu.memory_space<semaphore_mem>> -> memref<!tpu.dma_semaphore, #tpu.memory_space<semaphore_mem>>
    tpu.enqueue_indirect_dma source(%dma_start3A_64 : memref<1000000x64xf32, #tpu.memory_space<hbm>>) target(%dma_start3A_59 : memref<128x64xf32, #tpu.memory_space<vmem>>) offsets(%dma_start3A_61 : memref<128xi32, #tpu.memory_space<vmem>>) semaphore(%dma_start3A_66 : memref<!tpu.dma_semaphore, #tpu.memory_space<semaphore_mem>>)
    %dma_start3A_67 = arith.constant 2 : i32
    %dma_start3A_68 = arith.constant 2 : i32
    %dma_start3A_69 = arith.constant 128 : i32
    %dma_start3A_70 = arith.constant 0 : i32
    %dma_start3A_71 = tpu.memref_slice %arg6[%dma_start3A_67, %dma_start3A_69, %dma_start3A_70] : memref<4x256x64xf32, #tpu.memory_space<vmem>> -> memref<1x128x64xf32, #tpu.memory_space<vmem>>
    %dma_start3A_72 = tpu.memref_squeeze %dma_start3A_71 : memref<1x128x64xf32, #tpu.memory_space<vmem>> -> memref<128x64xf32, #tpu.memory_space<vmem>>
    %dma_start3A_73 = arith.constant 640 : i32
    %dma_start3A_74 = tpu.memref_slice %arg5[%dma_start3A_73] : memref<25600xi32, #tpu.memory_space<vmem>> -> memref<128xi32, #tpu.memory_space<vmem>>
    %dma_start3A_75 = arith.constant 0 : i32
    %dma_start3A_76 = arith.constant 0 : i32
    %dma_start3A_77 = tpu.memref_slice %arg2[%dma_start3A_75, %dma_start3A_76] : memref<1000000x64xf32, #tpu.memory_space<hbm>> -> memref<1000000x64xf32, #tpu.memory_space<hbm>>
    %dma_start3A_78 = tpu.memref_slice %arg7[%dma_start3A_68] : memref<4x!tpu.dma_semaphore, #tpu.memory_space<semaphore_mem>> -> memref<1x!tpu.dma_semaphore, #tpu.memory_space<semaphore_mem>>
    %dma_start3A_79 = tpu.memref_squeeze %dma_start3A_78 : memref<1x!tpu.dma_semaphore, #tpu.memory_space<semaphore_mem>> -> memref<!tpu.dma_semaphore, #tpu.memory_space<semaphore_mem>>
    tpu.enqueue_indirect_dma source(%dma_start3A_77 : memref<1000000x64xf32, #tpu.memory_space<hbm>>) target(%dma_start3A_72 : memref<128x64xf32, #tpu.memory_space<vmem>>) offsets(%dma_start3A_74 : memref<128xi32, #tpu.memory_space<vmem>>) semaphore(%dma_start3A_79 : memref<!tpu.dma_semaphore, #tpu.memory_space<semaphore_mem>>)
    %scan3A = arith.constant 0 : i32
    %scan3A_80 = arith.constant 25 : i32
    %scan3A_81 = arith.addi %scan3A, %scan3A_80 : i32
    %scan3A_82 = arith.constant 1 : i32
    scf.for %scan3A_155 = %scan3A to %scan3A_81 step %scan3A_82  : i32 {
      %mul3A_156 = arith.constant 1 : i32
      %mul3A_157 = arith.muli %scan3A_155, %mul3A_156 : i32
      %add3A_158 = arith.constant 0 : i32
      %add3A_159 = arith.addi %add3A_158, %mul3A_157 : i32
      %mul3A_160 = arith.constant 4 : i32
      %mul3A_161 = arith.muli %add3A_159, %mul3A_160 : i32
      %add3A_162 = arith.constant 0 : i32
      %add3A_163 = arith.addi %mul3A_161, %add3A_162 : i32
      %dma_wait3A_164 = arith.constant 0 : i32
      %dma_wait3A_165 = arith.constant 0 : i32
      %dma_wait3A_166 = arith.constant 0 : i32
      %dma_wait3A_167 = arith.constant 0 : i32
      %dma_wait3A_168 = tpu.memref_slice %arg6[%dma_wait3A_164, %dma_wait3A_166, %dma_wait3A_167] : memref<4x256x64xf32, #tpu.memory_space<vmem>> -> memref<1x256x64xf32, #tpu.memory_space<vmem>>
      %dma_wait3A_169 = tpu.memref_squeeze %dma_wait3A_168 : memref<1x256x64xf32, #tpu.memory_space<vmem>> -> memref<256x64xf32, #tpu.memory_space<vmem>>
      %dma_wait3A_170 = arith.constant 0 : i32
      %dma_wait3A_171 = arith.constant 0 : i32
      %dma_wait3A_172 = tpu.memref_slice %arg4[%dma_wait3A_170, %dma_wait3A_171] : memref<819200x64xf32, #tpu.memory_space<hbm>> -> memref<256x64xf32, #tpu.memory_space<hbm>>
      %dma_wait3A_173 = tpu.memref_slice %arg7[%dma_wait3A_165] : memref<4x!tpu.dma_semaphore, #tpu.memory_space<semaphore_mem>> -> memref<1x!tpu.dma_semaphore, #tpu.memory_space<semaphore_mem>>
      %dma_wait3A_174 = tpu.memref_squeeze %dma_wait3A_173 : memref<1x!tpu.dma_semaphore, #tpu.memory_space<semaphore_mem>> -> memref<!tpu.dma_semaphore, #tpu.memory_space<semaphore_mem>>
      %dma_wait3A_175 = arith.constant 0 : i32
      %dma_wait3A_176 = arith.constant 0 : i32
      %dma_wait3A_177 = tpu.memref_slice %arg6[%dma_wait3A_164, %dma_wait3A_175, %dma_wait3A_176] : memref<4x256x64xf32, #tpu.memory_space<vmem>> -> memref<1x256x64xf32, #tpu.memory_space<vmem>>
      %dma_wait3A_178 = tpu.memref_squeeze %dma_wait3A_177 : memref<1x256x64xf32, #tpu.memory_space<vmem>> -> memref<256x64xf32, #tpu.memory_space<vmem>>
      %dma_wait3A_179 = arith.constant 0 : i32
      %dma_wait3A_180 = arith.constant 0 : i32
      %dma_wait3A_181 = tpu.memref_slice %arg4[%dma_wait3A_179, %dma_wait3A_180] : memref<819200x64xf32, #tpu.memory_space<hbm>> -> memref<256x64xf32, #tpu.memory_space<hbm>>
      tpu.wait_dma2 semaphore(%dma_wait3A_174 : memref<!tpu.dma_semaphore, #tpu.memory_space<semaphore_mem>>) src(%dma_wait3A_181 : memref<256x64xf32, #tpu.memory_space<hbm>>) dst(%dma_wait3A_178 : memref<256x64xf32, #tpu.memory_space<vmem>>)
      %scan3A_182 = arith.constant 0 : i32
      %scan3A_183 = arith.constant 256 : i32
      %scan3A_184 = arith.addi %scan3A_182, %scan3A_183 : i32
      %scan3A_185 = arith.constant 1 : i32
      scf.for %scan3A_376 = %scan3A_182 to %scan3A_184 step %scan3A_185  : i32 {
        %mul3A_377 = arith.constant 1 : i32
        %mul3A_378 = arith.muli %scan3A_376, %mul3A_377 : i32
        %add3A_379 = arith.constant 0 : i32
        %add3A_380 = arith.addi %add3A_379, %mul3A_378 : i32
        %get3A = arith.constant 0 : i32
        %get3A_381 = arith.index_cast %get3A : i32 to index
        %get3A_382 = arith.index_cast %add3A_380 : i32 to index
        %get3A_383 = arith.constant 0 : index
        %get3A_384 = tpu.vector_load %arg6[%get3A_381, %get3A_382, %get3A_383] {strides = array<i32>} : memref<4x256x64xf32, #tpu.memory_space<vmem>>, vector<1x1x16xf32>,
        %get3A_385 = vector.shape_cast %get3A_384 : vector<1x1x16xf32> to vector<16xf32>
        %mul3A_386 = arith.constant 8.000000e+00 : f32
        %mul3A_387 = vector.broadcast %mul3A_386 : f32 to vector<16xf32>
        %mul3A_388 = arith.mulf %get3A_385, %mul3A_387 : vector<16xf32>
        %swap3A = arith.constant 0 : i32
        %swap3A_389 = arith.index_cast %swap3A : i32 to index
        %swap3A_390 = arith.index_cast %add3A_380 : i32 to index
        %swap3A_391 = arith.constant 0 : index
        %swap3A_392 = tpu.vector_load %arg6[%swap3A_389, %swap3A_390, %swap3A_391] {strides = array<i32>} : memref<4x256x64xf32, #tpu.memory_space<vmem>>, vector<1x1x16xf32>,
        %swap3A_393 = vector.shape_cast %swap3A_392 : vector<1x1x16xf32> to vector<16xf32>
        %swap3A_394 = vector.shape_cast %mul3A_388 : vector<16xf32> to vector<1x1x16xf32>
        tpu.vector_store %arg6[%swap3A_389, %swap3A_390, %swap3A_391], %swap3A_394 {strides = array<i32>} : memref<4x256x64xf32, #tpu.memory_space<vmem>>, vector<1x1x16xf32>,
        %get3A_395 = arith.constant 0 : i32
        %get3A_396 = arith.index_cast %get3A_395 : i32 to index
        %get3A_397 = arith.index_cast %add3A_380 : i32 to index
        %get3A_398 = arith.constant 16 : index
        %get3A_399 = tpu.vector_load %arg6[%get3A_396, %get3A_397, %get3A_398] {strides = array<i32>} : memref<4x256x64xf32, #tpu.memory_space<vmem>>, vector<1x1x16xf32>,
        %get3A_400 = vector.shape_cast %get3A_399 : vector<1x1x16xf32> to vector<16xf32>
        %mul3A_401 = arith.constant 8.000000e+00 : f32
        %mul3A_402 = vector.broadcast %mul3A_401 : f32 to vector<16xf32>
        %mul3A_403 = arith.mulf %get3A_400, %mul3A_402 : vector<16xf32>
        %swap3A_404 = arith.constant 0 : i32
        %swap3A_405 = arith.index_cast %swap3A_404 : i32 to index
        %swap3A_406 = arith.index_cast %add3A_380 : i32 to index
        %swap3A_407 = arith.constant 16 : index
        %swap3A_408 = tpu.vector_load %arg6[%swap3A_405, %swap3A_406, %swap3A_407] {strides = array<i32>} : memref<4x256x64xf32, #tpu.memory_space<vmem>>, vector<1x1x16xf32>,
        %swap3A_409 = vector.shape_cast %swap3A_408 : vector<1x1x16xf32> to vector<16xf32>
        %swap3A_410 = vector.shape_cast %mul3A_403 : vector<16xf32> to vector<1x1x16xf32>
        tpu.vector_store %arg6[%swap3A_405, %swap3A_406, %swap3A_407], %swap3A_410 {strides = array<i32>} : memref<4x256x64xf32, #tpu.memory_space<vmem>>, vector<1x1x16xf32>,
        %get3A_411 = arith.constant 0 : i32
        %get3A_412 = arith.index_cast %get3A_411 : i32 to index
        %get3A_413 = arith.index_cast %add3A_380 : i32 to index
        %get3A_414 = arith.constant 32 : index
        %get3A_415 = tpu.vector_load %arg6[%get3A_412, %get3A_413, %get3A_414] {strides = array<i32>} : memref<4x256x64xf32, #tpu.memory_space<vmem>>, vector<1x1x16xf32>,
        %get3A_416 = vector.shape_cast %get3A_415 : vector<1x1x16xf32> to vector<16xf32>
        %mul3A_417 = arith.constant 8.000000e+00 : f32
        %mul3A_418 = vector.broadcast %mul3A_417 : f32 to vector<16xf32>
        %mul3A_419 = arith.mulf %get3A_416, %mul3A_418 : vector<16xf32>
        %swap3A_420 = arith.constant 0 : i32
        %swap3A_421 = arith.index_cast %swap3A_420 : i32 to index
        %swap3A_422 = arith.index_cast %add3A_380 : i32 to index
        %swap3A_423 = arith.constant 32 : index
        %swap3A_424 = tpu.vector_load %arg6[%swap3A_421, %swap3A_422, %swap3A_423] {strides = array<i32>} : memref<4x256x64xf32, #tpu.memory_space<vmem>>, vector<1x1x16xf32>,
        %swap3A_425 = vector.shape_cast %swap3A_424 : vector<1x1x16xf32> to vector<16xf32>
        %swap3A_426 = vector.shape_cast %mul3A_419 : vector<16xf32> to vector<1x1x16xf32>
        tpu.vector_store %arg6[%swap3A_421, %swap3A_422, %swap3A_423], %swap3A_426 {strides = array<i32>} : memref<4x256x64xf32, #tpu.memory_space<vmem>>, vector<1x1x16xf32>,
        %get3A_427 = arith.constant 0 : i32
        %get3A_428 = arith.index_cast %get3A_427 : i32 to index
        %get3A_429 = arith.index_cast %add3A_380 : i32 to index
        %get3A_430 = arith.constant 48 : index
        %get3A_431 = tpu.vector_load %arg6[%get3A_428, %get3A_429, %get3A_430] {strides = array<i32>} : memref<4x256x64xf32, #tpu.memory_space<vmem>>, vector<1x1x16xf32>,
        %get3A_432 = vector.shape_cast %get3A_431 : vector<1x1x16xf32> to vector<16xf32>
        %mul3A_433 = arith.constant 8.000000e+00 : f32
        %mul3A_434 = vector.broadcast %mul3A_433 : f32 to vector<16xf32>
        %mul3A_435 = arith.mulf %get3A_432, %mul3A_434 : vector<16xf32>
        %swap3A_436 = arith.constant 0 : i32
        %swap3A_437 = arith.index_cast %swap3A_436 : i32 to index
        %swap3A_438 = arith.index_cast %add3A_380 : i32 to index
        %swap3A_439 = arith.constant 48 : index
        %swap3A_440 = tpu.vector_load %arg6[%swap3A_437, %swap3A_438, %swap3A_439] {strides = array<i32>} : memref<4x256x64xf32, #tpu.memory_space<vmem>>, vector<1x1x16xf32>,
        %swap3A_441 = vector.shape_cast %swap3A_440 : vector<1x1x16xf32> to vector<16xf32>
        %swap3A_442 = vector.shape_cast %mul3A_435 : vector<16xf32> to vector<1x1x16xf32>
        tpu.vector_store %arg6[%swap3A_437, %swap3A_438, %swap3A_439], %swap3A_442 {strides = array<i32>} : memref<4x256x64xf32, #tpu.memory_space<vmem>>, vector<1x1x16xf32>,
      }
      %scan3A_186 = arith.constant 256 : i32
      %mul3A_187 = arith.constant 256 : i32
      %mul3A_188 = arith.muli %add3A_163, %mul3A_187 : i32
      %add3A_189 = arith.addi %mul3A_2, %mul3A_188 : i32
      %dma_start3A_190 = arith.constant 0 : i32
      %dma_start3A_191 = arith.constant 0 : i32
      %dma_start3A_192 = arith.constant 0 : i32
      %dma_start3A_193 = arith.constant 0 : i32
      %dma_start3A_194 = tpu.memref_slice %arg6[%dma_start3A_190, %dma_start3A_192, %dma_start3A_193] : memref<4x256x64xf32, #tpu.memory_space<vmem>> -> memref<1x256x64xf32, #tpu.memory_space<vmem>>
      %dma_start3A_195 = tpu.memref_squeeze %dma_start3A_194 : memref<1x256x64xf32, #tpu.memory_space<vmem>> -> memref<256x64xf32, #tpu.memory_space<vmem>>
      %dma_start3A_196 = arith.constant 0 : i32
      %dma_start3A_197 = tpu.memref_slice %arg4[%add3A_189, %dma_start3A_196] : memref<819200x64xf32, #tpu.memory_space<hbm>> -> memref<256x64xf32, #tpu.memory_space<hbm>>
      %dma_start3A_198 = tpu.memref_slice %arg8[%dma_start3A_191] : memref<4x!tpu.dma_semaphore, #tpu.memory_space<semaphore_mem>> -> memref<1x!tpu.dma_semaphore, #tpu.memory_space<semaphore_mem>>
      %dma_start3A_199 = tpu.memref_squeeze %dma_start3A_198 : memref<1x!tpu.dma_semaphore, #tpu.memory_space<semaphore_mem>> -> memref<!tpu.dma_semaphore, #tpu.memory_space<semaphore_mem>>
      %dma_start3A_200 = arith.constant 0 : i32
      %dma_start3A_201 = tpu.memref_slice %arg4[%add3A_189, %dma_start3A_200] : memref<819200x64xf32, #tpu.memory_space<hbm>> -> memref<256x64xf32, #tpu.memory_space<hbm>>
      %dma_start3A_202 = arith.constant 0 : i32
      %dma_start3A_203 = arith.constant 0 : i32
      %dma_start3A_204 = tpu.memref_slice %arg6[%dma_start3A_190, %dma_start3A_202, %dma_start3A_203] : memref<4x256x64xf32, #tpu.memory_space<vmem>> -> memref<1x256x64xf32, #tpu.memory_space<vmem>>
      %dma_start3A_205 = tpu.memref_squeeze %dma_start3A_204 : memref<1x256x64xf32, #tpu.memory_space<vmem>> -> memref<256x64xf32, #tpu.memory_space<vmem>>
      tpu.enqueue_dma source(%dma_start3A_205 : memref<256x64xf32, #tpu.memory_space<vmem>>) target(%dma_start3A_201 : memref<256x64xf32, #tpu.memory_space<hbm>>) target_semaphore(%dma_start3A_199 : memref<!tpu.dma_semaphore, #tpu.memory_space<semaphore_mem>>)
      %add3A_206 = arith.constant 4 : i32
      %add3A_207 = arith.addi %add3A_163, %add3A_206 : i32
      %sub3A = arith.constant 1 : i32
      %sub3A_208 = arith.subi %add3A_207, %sub3A : i32
      %lt3A = arith.constant 100 : i32
      %lt3A_209 = arith.cmpi slt, %sub3A_208, %lt3A : i32
      %convert_element_type3A = arith.extui %lt3A_209 : i1 to i32
      %cond3A = arith.constant 0 : i32
      %cond3A_210 = arith.cmpi ne, %convert_element_type3A, %cond3A : i32
      scf.if %cond3A_210 {
        %ge3A = arith.constant 4 : i32
        %ge3A_376 = arith.cmpi sge, %sub3A_208, %ge3A : i32
        %convert_element_type3A_377 = arith.extui %ge3A_376 : i1 to i32
        %cond3A_378 = arith.constant 0 : i32
        %cond3A_379 = arith.cmpi ne, %convert_element_type3A_377, %cond3A_378 : i32
        scf.if %cond3A_379 {
          %dma_wait3A_412 = arith.constant 3 : i32
          %dma_wait3A_413 = arith.constant 3 : i32
          %dma_wait3A_414 = arith.constant 0 : i32
          %dma_wait3A_415 = arith.constant 0 : i32
          %dma_wait3A_416 = tpu.memref_slice %arg6[%dma_wait3A_412, %dma_wait3A_414, %dma_wait3A_415] : memref<4x256x64xf32, #tpu.memory_space<vmem>> -> memref<1x256x64xf32, #tpu.memory_space<vmem>>
          %dma_wait3A_417 = tpu.memref_squeeze %dma_wait3A_416 : memref<1x256x64xf32, #tpu.memory_space<vmem>> -> memref<256x64xf32, #tpu.memory_space<vmem>>
          %dma_wait3A_418 = arith.constant 0 : i32
          %dma_wait3A_419 = arith.constant 0 : i32
          %dma_wait3A_420 = tpu.memref_slice %arg4[%dma_wait3A_418, %dma_wait3A_419] : memref<819200x64xf32, #tpu.memory_space<hbm>> -> memref<256x64xf32, #tpu.memory_space<hbm>>
          %dma_wait3A_421 = tpu.memref_slice %arg8[%dma_wait3A_413] : memref<4x!tpu.dma_semaphore, #tpu.memory_space<semaphore_mem>> -> memref<1x!tpu.dma_semaphore, #tpu.memory_space<semaphore_mem>>
          %dma_wait3A_422 = tpu.memref_squeeze %dma_wait3A_421 : memref<1x!tpu.dma_semaphore, #tpu.memory_space<semaphore_mem>> -> memref<!tpu.dma_semaphore, #tpu.memory_space<semaphore_mem>>
          %dma_wait3A_423 = arith.constant 0 : i32
          %dma_wait3A_424 = arith.constant 0 : i32
          %dma_wait3A_425 = tpu.memref_slice %arg4[%dma_wait3A_423, %dma_wait3A_424] : memref<819200x64xf32, #tpu.memory_space<hbm>> -> memref<256x64xf32, #tpu.memory_space<hbm>>
          %dma_wait3A_426 = arith.constant 0 : i32
          %dma_wait3A_427 = arith.constant 0 : i32
          %dma_wait3A_428 = tpu.memref_slice %arg6[%dma_wait3A_412, %dma_wait3A_426, %dma_wait3A_427] : memref<4x256x64xf32, #tpu.memory_space<vmem>> -> memref<1x256x64xf32, #tpu.memory_space<vmem>>
          %dma_wait3A_429 = tpu.memref_squeeze %dma_wait3A_428 : memref<1x256x64xf32, #tpu.memory_space<vmem>> -> memref<256x64xf32, #tpu.memory_space<vmem>>
          tpu.wait_dma2 semaphore(%dma_wait3A_422 : memref<!tpu.dma_semaphore, #tpu.memory_space<semaphore_mem>>) src(%dma_wait3A_429 : memref<256x64xf32, #tpu.memory_space<vmem>>) dst(%dma_wait3A_425 : memref<256x64xf32, #tpu.memory_space<hbm>>)
        } else {
        }
        %mul3A_380 = arith.constant 256 : i32
        %mul3A_381 = arith.muli %sub3A_208, %mul3A_380 : i32
        %add3A_382 = arith.constant 0 : i32
        %add3A_383 = arith.addi %mul3A_381, %add3A_382 : i32
        %dma_start3A_384 = arith.constant 3 : i32
        %dma_start3A_385 = arith.constant 3 : i32
        %dma_start3A_386 = arith.constant 0 : i32
        %dma_start3A_387 = arith.constant 0 : i32
        %dma_start3A_388 = tpu.memref_slice %arg6[%dma_start3A_384, %dma_start3A_386, %dma_start3A_387] : memref<4x256x64xf32, #tpu.memory_space<vmem>> -> memref<1x128x64xf32, #tpu.memory_space<vmem>>
        %dma_start3A_389 = tpu.memref_squeeze %dma_start3A_388 : memref<1x128x64xf32, #tpu.memory_space<vmem>> -> memref<128x64xf32, #tpu.memory_space<vmem>>
        %dma_start3A_390 = tpu.memref_slice %arg5[%add3A_383] : memref<25600xi32, #tpu.memory_space<vmem>> -> memref<128xi32, #tpu.memory_space<vmem>>
        %dma_start3A_391 = arith.constant 0 : i32
        %dma_start3A_392 = arith.constant 0 : i32
        %dma_start3A_393 = tpu.memref_slice %arg2[%dma_start3A_391, %dma_start3A_392] : memref<1000000x64xf32, #tpu.memory_space<hbm>> -> memref<1000000x64xf32, #tpu.memory_space<hbm>>
        %dma_start3A_394 = tpu.memref_slice %arg7[%dma_start3A_385] : memref<4x!tpu.dma_semaphore, #tpu.memory_space<semaphore_mem>> -> memref<1x!tpu.dma_semaphore, #tpu.memory_space<semaphore_mem>>
        %dma_start3A_395 = tpu.memref_squeeze %dma_start3A_394 : memref<1x!tpu.dma_semaphore, #tpu.memory_space<semaphore_mem>> -> memref<!tpu.dma_semaphore, #tpu.memory_space<semaphore_mem>>
        tpu.enqueue_indirect_dma source(%dma_start3A_393 : memref<1000000x64xf32, #tpu.memory_space<hbm>>) target(%dma_start3A_389 : memref<128x64xf32, #tpu.memory_space<vmem>>) offsets(%dma_start3A_390 : memref<128xi32, #tpu.memory_space<vmem>>) semaphore(%dma_start3A_395 : memref<!tpu.dma_semaphore, #tpu.memory_space<semaphore_mem>>)
        %mul3A_396 = arith.constant 256 : i32
        %mul3A_397 = arith.muli %sub3A_208, %mul3A_396 : i32
        %add3A_398 = arith.constant 128 : i32
        %add3A_399 = arith.addi %mul3A_397, %add3A_398 : i32
        %dma_start3A_400 = arith.constant 3 : i32
        %dma_start3A_401 = arith.constant 3 : i32
        %dma_start3A_402 = arith.constant 128 : i32
        %dma_start3A_403 = arith.constant 0 : i32
        %dma_start3A_404 = tpu.memref_slice %arg6[%dma_start3A_400, %dma_start3A_402, %dma_start3A_403] : memref<4x256x64xf32, #tpu.memory_space<vmem>> -> memref<1x128x64xf32, #tpu.memory_space<vmem>>
        %dma_start3A_405 = tpu.memref_squeeze %dma_start3A_404 : memref<1x128x64xf32, #tpu.memory_space<vmem>> -> memref<128x64xf32, #tpu.memory_space<vmem>>
        %dma_start3A_406 = tpu.memref_slice %arg5[%add3A_399] : memref<25600xi32, #tpu.memory_space<vmem>> -> memref<128xi32, #tpu.memory_space<vmem>>
        %dma_start3A_407 = arith.constant 0 : i32
        %dma_start3A_408 = arith.constant 0 : i32
        %dma_start3A_409 = tpu.memref_slice %arg2[%dma_start3A_407, %dma_start3A_408] : memref<1000000x64xf32, #tpu.memory_space<hbm>> -> memref<1000000x64xf32, #tpu.memory_space<hbm>>
        %dma_start3A_410 = tpu.memref_slice %arg7[%dma_start3A_401] : memref<4x!tpu.dma_semaphore, #tpu.memory_space<semaphore_mem>> -> memref<1x!tpu.dma_semaphore, #tpu.memory_space<semaphore_mem>>
        %dma_start3A_411 = tpu.memref_squeeze %dma_start3A_410 : memref<1x!tpu.dma_semaphore, #tpu.memory_space<semaphore_mem>> -> memref<!tpu.dma_semaphore, #tpu.memory_space<semaphore_mem>>
        tpu.enqueue_indirect_dma source(%dma_start3A_409 : memref<1000000x64xf32, #tpu.memory_space<hbm>>) target(%dma_start3A_405 : memref<128x64xf32, #tpu.memory_space<vmem>>) offsets(%dma_start3A_406 : memref<128xi32, #tpu.memory_space<vmem>>) semaphore(%dma_start3A_411 : memref<!tpu.dma_semaphore, #tpu.memory_space<semaphore_mem>>)
      } else {
      }
      %mul3A_211 = arith.constant 4 : i32
      %mul3A_212 = arith.muli %add3A_159, %mul3A_211 : i32
      %add3A_213 = arith.constant 1 : i32
      %add3A_214 = arith.addi %mul3A_212, %add3A_213 : i32
      %dma_wait3A_215 = arith.constant 1 : i32
      %dma_wait3A_216 = arith.constant 1 : i32
      %dma_wait3A_217 = arith.constant 0 : i32
      %dma_wait3A_218 = arith.constant 0 : i32
      %dma_wait3A_219 = tpu.memref_slice %arg6[%dma_wait3A_215, %dma_wait3A_217, %dma_wait3A_218] : memref<4x256x64xf32, #tpu.memory_space<vmem>> -> memref<1x256x64xf32, #tpu.memory_space<vmem>>
      %dma_wait3A_220 = tpu.memref_squeeze %dma_wait3A_219 : memref<1x256x64xf32, #tpu.memory_space<vmem>> -> memref<256x64xf32, #tpu.memory_space<vmem>>
      %dma_wait3A_221 = arith.constant 0 : i32
      %dma_wait3A_222 = arith.constant 0 : i32
      %dma_wait3A_223 = tpu.memref_slice %arg4[%dma_wait3A_221, %dma_wait3A_222] : memref<819200x64xf32, #tpu.memory_space<hbm>> -> memref<256x64xf32, #tpu.memory_space<hbm>>
      %dma_wait3A_224 = tpu.memref_slice %arg7[%dma_wait3A_216] : memref<4x!tpu.dma_semaphore, #tpu.memory_space<semaphore_mem>> -> memref<1x!tpu.dma_semaphore, #tpu.memory_space<semaphore_mem>>
      %dma_wait3A_225 = tpu.memref_squeeze %dma_wait3A_224 : memref<1x!tpu.dma_semaphore, #tpu.memory_space<semaphore_mem>> -> memref<!tpu.dma_semaphore, #tpu.memory_space<semaphore_mem>>
      %dma_wait3A_226 = arith.constant 0 : i32
      %dma_wait3A_227 = arith.constant 0 : i32
      %dma_wait3A_228 = tpu.memref_slice %arg6[%dma_wait3A_215, %dma_wait3A_226, %dma_wait3A_227] : memref<4x256x64xf32, #tpu.memory_space<vmem>> -> memref<1x256x64xf32, #tpu.memory_space<vmem>>
      %dma_wait3A_229 = tpu.memref_squeeze %dma_wait3A_228 : memref<1x256x64xf32, #tpu.memory_space<vmem>> -> memref<256x64xf32, #tpu.memory_space<vmem>>
      %dma_wait3A_230 = arith.constant 0 : i32
      %dma_wait3A_231 = arith.constant 0 : i32
      %dma_wait3A_232 = tpu.memref_slice %arg4[%dma_wait3A_230, %dma_wait3A_231] : memref<819200x64xf32, #tpu.memory_space<hbm>> -> memref<256x64xf32, #tpu.memory_space<hbm>>
      tpu.wait_dma2 semaphore(%dma_wait3A_225 : memref<!tpu.dma_semaphore, #tpu.memory_space<semaphore_mem>>) src(%dma_wait3A_232 : memref<256x64xf32, #tpu.memory_space<hbm>>) dst(%dma_wait3A_229 : memref<256x64xf32, #tpu.memory_space<vmem>>)
      %scan3A_233 = arith.constant 0 : i32
      %scan3A_234 = arith.constant 256 : i32
      %scan3A_235 = arith.addi %scan3A_233, %scan3A_234 : i32
      %scan3A_236 = arith.constant 1 : i32
      scf.for %scan3A_376 = %scan3A_233 to %scan3A_235 step %scan3A_236  : i32 {
        %mul3A_377 = arith.constant 1 : i32
        %mul3A_378 = arith.muli %scan3A_376, %mul3A_377 : i32
        %add3A_379 = arith.constant 0 : i32
        %add3A_380 = arith.addi %add3A_379, %mul3A_378 : i32
        %get3A = arith.constant 1 : i32
        %get3A_381 = arith.index_cast %get3A : i32 to index
        %get3A_382 = arith.index_cast %add3A_380 : i32 to index
        %get3A_383 = arith.constant 0 : index
        %get3A_384 = tpu.vector_load %arg6[%get3A_381, %get3A_382, %get3A_383] {strides = array<i32>} : memref<4x256x64xf32, #tpu.memory_space<vmem>>, vector<1x1x16xf32>,
        %get3A_385 = vector.shape_cast %get3A_384 : vector<1x1x16xf32> to vector<16xf32>
        %mul3A_386 = arith.constant 8.000000e+00 : f32
        %mul3A_387 = vector.broadcast %mul3A_386 : f32 to vector<16xf32>
        %mul3A_388 = arith.mulf %get3A_385, %mul3A_387 : vector<16xf32>
        %swap3A = arith.constant 1 : i32
        %swap3A_389 = arith.index_cast %swap3A : i32 to index
        %swap3A_390 = arith.index_cast %add3A_380 : i32 to index
        %swap3A_391 = arith.constant 0 : index
        %swap3A_392 = tpu.vector_load %arg6[%swap3A_389, %swap3A_390, %swap3A_391] {strides = array<i32>} : memref<4x256x64xf32, #tpu.memory_space<vmem>>, vector<1x1x16xf32>,
        %swap3A_393 = vector.shape_cast %swap3A_392 : vector<1x1x16xf32> to vector<16xf32>
        %swap3A_394 = vector.shape_cast %mul3A_388 : vector<16xf32> to vector<1x1x16xf32>
        tpu.vector_store %arg6[%swap3A_389, %swap3A_390, %swap3A_391], %swap3A_394 {strides = array<i32>} : memref<4x256x64xf32, #tpu.memory_space<vmem>>, vector<1x1x16xf32>,
        %get3A_395 = arith.constant 1 : i32
        %get3A_396 = arith.index_cast %get3A_395 : i32 to index
        %get3A_397 = arith.index_cast %add3A_380 : i32 to index
        %get3A_398 = arith.constant 16 : index
        %get3A_399 = tpu.vector_load %arg6[%get3A_396, %get3A_397, %get3A_398] {strides = array<i32>} : memref<4x256x64xf32, #tpu.memory_space<vmem>>, vector<1x1x16xf32>,
        %get3A_400 = vector.shape_cast %get3A_399 : vector<1x1x16xf32> to vector<16xf32>
        %mul3A_401 = arith.constant 8.000000e+00 : f32
        %mul3A_402 = vector.broadcast %mul3A_401 : f32 to vector<16xf32>
        %mul3A_403 = arith.mulf %get3A_400, %mul3A_402 : vector<16xf32>
        %swap3A_404 = arith.constant 1 : i32
        %swap3A_405 = arith.index_cast %swap3A_404 : i32 to index
        %swap3A_406 = arith.index_cast %add3A_380 : i32 to index
        %swap3A_407 = arith.constant 16 : index
        %swap3A_408 = tpu.vector_load %arg6[%swap3A_405, %swap3A_406, %swap3A_407] {strides = array<i32>} : memref<4x256x64xf32, #tpu.memory_space<vmem>>, vector<1x1x16xf32>,
        %swap3A_409 = vector.shape_cast %swap3A_408 : vector<1x1x16xf32> to vector<16xf32>
        %swap3A_410 = vector.shape_cast %mul3A_403 : vector<16xf32> to vector<1x1x16xf32>
        tpu.vector_store %arg6[%swap3A_405, %swap3A_406, %swap3A_407], %swap3A_410 {strides = array<i32>} : memref<4x256x64xf32, #tpu.memory_space<vmem>>, vector<1x1x16xf32>,
        %get3A_411 = arith.constant 1 : i32
        %get3A_412 = arith.index_cast %get3A_411 : i32 to index
        %get3A_413 = arith.index_cast %add3A_380 : i32 to index
        %get3A_414 = arith.constant 32 : index
        %get3A_415 = tpu.vector_load %arg6[%get3A_412, %get3A_413, %get3A_414] {strides = array<i32>} : memref<4x256x64xf32, #tpu.memory_space<vmem>>, vector<1x1x16xf32>,
        %get3A_416 = vector.shape_cast %get3A_415 : vector<1x1x16xf32> to vector<16xf32>
        %mul3A_417 = arith.constant 8.000000e+00 : f32
        %mul3A_418 = vector.broadcast %mul3A_417 : f32 to vector<16xf32>
        %mul3A_419 = arith.mulf %get3A_416, %mul3A_418 : vector<16xf32>
        %swap3A_420 = arith.constant 1 : i32
        %swap3A_421 = arith.index_cast %swap3A_420 : i32 to index
        %swap3A_422 = arith.index_cast %add3A_380 : i32 to index
        %swap3A_423 = arith.constant 32 : index
        %swap3A_424 = tpu.vector_load %arg6[%swap3A_421, %swap3A_422, %swap3A_423] {strides = array<i32>} : memref<4x256x64xf32, #tpu.memory_space<vmem>>, vector<1x1x16xf32>,
        %swap3A_425 = vector.shape_cast %swap3A_424 : vector<1x1x16xf32> to vector<16xf32>
        %swap3A_426 = vector.shape_cast %mul3A_419 : vector<16xf32> to vector<1x1x16xf32>
        tpu.vector_store %arg6[%swap3A_421, %swap3A_422, %swap3A_423], %swap3A_426 {strides = array<i32>} : memref<4x256x64xf32, #tpu.memory_space<vmem>>, vector<1x1x16xf32>,
        %get3A_427 = arith.constant 1 : i32
        %get3A_428 = arith.index_cast %get3A_427 : i32 to index
        %get3A_429 = arith.index_cast %add3A_380 : i32 to index
        %get3A_430 = arith.constant 48 : index
        %get3A_431 = tpu.vector_load %arg6[%get3A_428, %get3A_429, %get3A_430] {strides = array<i32>} : memref<4x256x64xf32, #tpu.memory_space<vmem>>, vector<1x1x16xf32>,
        %get3A_432 = vector.shape_cast %get3A_431 : vector<1x1x16xf32> to vector<16xf32>
        %mul3A_433 = arith.constant 8.000000e+00 : f32
        %mul3A_434 = vector.broadcast %mul3A_433 : f32 to vector<16xf32>
        %mul3A_435 = arith.mulf %get3A_432, %mul3A_434 : vector<16xf32>
        %swap3A_436 = arith.constant 1 : i32
        %swap3A_437 = arith.index_cast %swap3A_436 : i32 to index
        %swap3A_438 = arith.index_cast %add3A_380 : i32 to index
        %swap3A_439 = arith.constant 48 : index
        %swap3A_440 = tpu.vector_load %arg6[%swap3A_437, %swap3A_438, %swap3A_439] {strides = array<i32>} : memref<4x256x64xf32, #tpu.memory_space<vmem>>, vector<1x1x16xf32>,
        %swap3A_441 = vector.shape_cast %swap3A_440 : vector<1x1x16xf32> to vector<16xf32>
        %swap3A_442 = vector.shape_cast %mul3A_435 : vector<16xf32> to vector<1x1x16xf32>
        tpu.vector_store %arg6[%swap3A_437, %swap3A_438, %swap3A_439], %swap3A_442 {strides = array<i32>} : memref<4x256x64xf32, #tpu.memory_space<vmem>>, vector<1x1x16xf32>,
      }
      %scan3A_237 = arith.constant 256 : i32
      %mul3A_238 = arith.constant 256 : i32
      %mul3A_239 = arith.muli %add3A_214, %mul3A_238 : i32
      %add3A_240 = arith.addi %mul3A_2, %mul3A_239 : i32
      %dma_start3A_241 = arith.constant 1 : i32
      %dma_start3A_242 = arith.constant 1 : i32
      %dma_start3A_243 = arith.constant 0 : i32
      %dma_start3A_244 = arith.constant 0 : i32
      %dma_start3A_245 = tpu.memref_slice %arg6[%dma_start3A_241, %dma_start3A_243, %dma_start3A_244] : memref<4x256x64xf32, #tpu.memory_space<vmem>> -> memref<1x256x64xf32, #tpu.memory_space<vmem>>
      %dma_start3A_246 = tpu.memref_squeeze %dma_start3A_245 : memref<1x256x64xf32, #tpu.memory_space<vmem>> -> memref<256x64xf32, #tpu.memory_space<vmem>>
      %dma_start3A_247 = arith.constant 0 : i32
      %dma_start3A_248 = tpu.memref_slice %arg4[%add3A_240, %dma_start3A_247] : memref<819200x64xf32, #tpu.memory_space<hbm>> -> memref<256x64xf32, #tpu.memory_space<hbm>>
      %dma_start3A_249 = tpu.memref_slice %arg8[%dma_start3A_242] : memref<4x!tpu.dma_semaphore, #tpu.memory_space<semaphore_mem>> -> memref<1x!tpu.dma_semaphore, #tpu.memory_space<semaphore_mem>>
      %dma_start3A_250 = tpu.memref_squeeze %dma_start3A_249 : memref<1x!tpu.dma_semaphore, #tpu.memory_space<semaphore_mem>> -> memref<!tpu.dma_semaphore, #tpu.memory_space<semaphore_mem>>
      %dma_start3A_251 = arith.constant 0 : i32
      %dma_start3A_252 = tpu.memref_slice %arg4[%add3A_240, %dma_start3A_251] : memref<819200x64xf32, #tpu.memory_space<hbm>> -> memref<256x64xf32, #tpu.memory_space<hbm>>
      %dma_start3A_253 = arith.constant 0 : i32
      %dma_start3A_254 = arith.constant 0 : i32
      %dma_start3A_255 = tpu.memref_slice %arg6[%dma_start3A_241, %dma_start3A_253, %dma_start3A_254] : memref<4x256x64xf32, #tpu.memory_space<vmem>> -> memref<1x256x64xf32, #tpu.memory_space<vmem>>
      %dma_start3A_256 = tpu.memref_squeeze %dma_start3A_255 : memref<1x256x64xf32, #tpu.memory_space<vmem>> -> memref<256x64xf32, #tpu.memory_space<vmem>>
      tpu.enqueue_dma source(%dma_start3A_256 : memref<256x64xf32, #tpu.memory_space<vmem>>) target(%dma_start3A_252 : memref<256x64xf32, #tpu.memory_space<hbm>>) target_semaphore(%dma_start3A_250 : memref<!tpu.dma_semaphore, #tpu.memory_space<semaphore_mem>>)
      %add3A_257 = arith.constant 4 : i32
      %add3A_258 = arith.addi %add3A_214, %add3A_257 : i32
      %sub3A_259 = arith.constant 1 : i32
      %sub3A_260 = arith.subi %add3A_258, %sub3A_259 : i32
      %lt3A_261 = arith.constant 100 : i32
      %lt3A_262 = arith.cmpi slt, %sub3A_260, %lt3A_261 : i32
      %convert_element_type3A_263 = arith.extui %lt3A_262 : i1 to i32
      %cond3A_264 = arith.constant 0 : i32
      %cond3A_265 = arith.cmpi ne, %convert_element_type3A_263, %cond3A_264 : i32
      scf.if %cond3A_265 {
        %ge3A = arith.constant 4 : i32
        %ge3A_376 = arith.cmpi sge, %sub3A_260, %ge3A : i32
        %convert_element_type3A_377 = arith.extui %ge3A_376 : i1 to i32
        %cond3A_378 = arith.constant 0 : i32
        %cond3A_379 = arith.cmpi ne, %convert_element_type3A_377, %cond3A_378 : i32
        scf.if %cond3A_379 {
          %dma_wait3A_412 = arith.constant 0 : i32
          %dma_wait3A_413 = arith.constant 0 : i32
          %dma_wait3A_414 = arith.constant 0 : i32
          %dma_wait3A_415 = arith.constant 0 : i32
          %dma_wait3A_416 = tpu.memref_slice %arg6[%dma_wait3A_412, %dma_wait3A_414, %dma_wait3A_415] : memref<4x256x64xf32, #tpu.memory_space<vmem>> -> memref<1x256x64xf32, #tpu.memory_space<vmem>>
          %dma_wait3A_417 = tpu.memref_squeeze %dma_wait3A_416 : memref<1x256x64xf32, #tpu.memory_space<vmem>> -> memref<256x64xf32, #tpu.memory_space<vmem>>
          %dma_wait3A_418 = arith.constant 0 : i32
          %dma_wait3A_419 = arith.constant 0 : i32
          %dma_wait3A_420 = tpu.memref_slice %arg4[%dma_wait3A_418, %dma_wait3A_419] : memref<819200x64xf32, #tpu.memory_space<hbm>> -> memref<256x64xf32, #tpu.memory_space<hbm>>
          %dma_wait3A_421 = tpu.memref_slice %arg8[%dma_wait3A_413] : memref<4x!tpu.dma_semaphore, #tpu.memory_space<semaphore_mem>> -> memref<1x!tpu.dma_semaphore, #tpu.memory_space<semaphore_mem>>
          %dma_wait3A_422 = tpu.memref_squeeze %dma_wait3A_421 : memref<1x!tpu.dma_semaphore, #tpu.memory_space<semaphore_mem>> -> memref<!tpu.dma_semaphore, #tpu.memory_space<semaphore_mem>>
          %dma_wait3A_423 = arith.constant 0 : i32
          %dma_wait3A_424 = arith.constant 0 : i32
          %dma_wait3A_425 = tpu.memref_slice %arg4[%dma_wait3A_423, %dma_wait3A_424] : memref<819200x64xf32, #tpu.memory_space<hbm>> -> memref<256x64xf32, #tpu.memory_space<hbm>>
          %dma_wait3A_426 = arith.constant 0 : i32
          %dma_wait3A_427 = arith.constant 0 : i32
          %dma_wait3A_428 = tpu.memref_slice %arg6[%dma_wait3A_412, %dma_wait3A_426, %dma_wait3A_427] : memref<4x256x64xf32, #tpu.memory_space<vmem>> -> memref<1x256x64xf32, #tpu.memory_space<vmem>>
          %dma_wait3A_429 = tpu.memref_squeeze %dma_wait3A_428 : memref<1x256x64xf32, #tpu.memory_space<vmem>> -> memref<256x64xf32, #tpu.memory_space<vmem>>
          tpu.wait_dma2 semaphore(%dma_wait3A_422 : memref<!tpu.dma_semaphore, #tpu.memory_space<semaphore_mem>>) src(%dma_wait3A_429 : memref<256x64xf32, #tpu.memory_space<vmem>>) dst(%dma_wait3A_425 : memref<256x64xf32, #tpu.memory_space<hbm>>)
        } else {
        }
        %mul3A_380 = arith.constant 256 : i32
        %mul3A_381 = arith.muli %sub3A_260, %mul3A_380 : i32
        %add3A_382 = arith.constant 0 : i32
        %add3A_383 = arith.addi %mul3A_381, %add3A_382 : i32
        %dma_start3A_384 = arith.constant 0 : i32
        %dma_start3A_385 = arith.constant 0 : i32
        %dma_start3A_386 = arith.constant 0 : i32
        %dma_start3A_387 = arith.constant 0 : i32
        %dma_start3A_388 = tpu.memref_slice %arg6[%dma_start3A_384, %dma_start3A_386, %dma_start3A_387] : memref<4x256x64xf32, #tpu.memory_space<vmem>> -> memref<1x128x64xf32, #tpu.memory_space<vmem>>
        %dma_start3A_389 = tpu.memref_squeeze %dma_start3A_388 : memref<1x128x64xf32, #tpu.memory_space<vmem>> -> memref<128x64xf32, #tpu.memory_space<vmem>>
        %dma_start3A_390 = tpu.memref_slice %arg5[%add3A_383] : memref<25600xi32, #tpu.memory_space<vmem>> -> memref<128xi32, #tpu.memory_space<vmem>>
        %dma_start3A_391 = arith.constant 0 : i32
        %dma_start3A_392 = arith.constant 0 : i32
        %dma_start3A_393 = tpu.memref_slice %arg2[%dma_start3A_391, %dma_start3A_392] : memref<1000000x64xf32, #tpu.memory_space<hbm>> -> memref<1000000x64xf32, #tpu.memory_space<hbm>>
        %dma_start3A_394 = tpu.memref_slice %arg7[%dma_start3A_385] : memref<4x!tpu.dma_semaphore, #tpu.memory_space<semaphore_mem>> -> memref<1x!tpu.dma_semaphore, #tpu.memory_space<semaphore_mem>>
        %dma_start3A_395 = tpu.memref_squeeze %dma_start3A_394 : memref<1x!tpu.dma_semaphore, #tpu.memory_space<semaphore_mem>> -> memref<!tpu.dma_semaphore, #tpu.memory_space<semaphore_mem>>
        tpu.enqueue_indirect_dma source(%dma_start3A_393 : memref<1000000x64xf32, #tpu.memory_space<hbm>>) target(%dma_start3A_389 : memref<128x64xf32, #tpu.memory_space<vmem>>) offsets(%dma_start3A_390 : memref<128xi32, #tpu.memory_space<vmem>>) semaphore(%dma_start3A_395 : memref<!tpu.dma_semaphore, #tpu.memory_space<semaphore_mem>>)
        %mul3A_396 = arith.constant 256 : i32
        %mul3A_397 = arith.muli %sub3A_260, %mul3A_396 : i32
        %add3A_398 = arith.constant 128 : i32
        %add3A_399 = arith.addi %mul3A_397, %add3A_398 : i32
        %dma_start3A_400 = arith.constant 0 : i32
        %dma_start3A_401 = arith.constant 0 : i32
        %dma_start3A_402 = arith.constant 128 : i32
        %dma_start3A_403 = arith.constant 0 : i32
        %dma_start3A_404 = tpu.memref_slice %arg6[%dma_start3A_400, %dma_start3A_402, %dma_start3A_403] : memref<4x256x64xf32, #tpu.memory_space<vmem>> -> memref<1x128x64xf32, #tpu.memory_space<vmem>>
        %dma_start3A_405 = tpu.memref_squeeze %dma_start3A_404 : memref<1x128x64xf32, #tpu.memory_space<vmem>> -> memref<128x64xf32, #tpu.memory_space<vmem>>
        %dma_start3A_406 = tpu.memref_slice %arg5[%add3A_399] : memref<25600xi32, #tpu.memory_space<vmem>> -> memref<128xi32, #tpu.memory_space<vmem>>
        %dma_start3A_407 = arith.constant 0 : i32
        %dma_start3A_408 = arith.constant 0 : i32
        %dma_start3A_409 = tpu.memref_slice %arg2[%dma_start3A_407, %dma_start3A_408] : memref<1000000x64xf32, #tpu.memory_space<hbm>> -> memref<1000000x64xf32, #tpu.memory_space<hbm>>
        %dma_start3A_410 = tpu.memref_slice %arg7[%dma_start3A_401] : memref<4x!tpu.dma_semaphore, #tpu.memory_space<semaphore_mem>> -> memref<1x!tpu.dma_semaphore, #tpu.memory_space<semaphore_mem>>
        %dma_start3A_411 = tpu.memref_squeeze %dma_start3A_410 : memref<1x!tpu.dma_semaphore, #tpu.memory_space<semaphore_mem>> -> memref<!tpu.dma_semaphore, #tpu.memory_space<semaphore_mem>>
        tpu.enqueue_indirect_dma source(%dma_start3A_409 : memref<1000000x64xf32, #tpu.memory_space<hbm>>) target(%dma_start3A_405 : memref<128x64xf32, #tpu.memory_space<vmem>>) offsets(%dma_start3A_406 : memref<128xi32, #tpu.memory_space<vmem>>) semaphore(%dma_start3A_411 : memref<!tpu.dma_semaphore, #tpu.memory_space<semaphore_mem>>)
      } else {
      }
      %mul3A_266 = arith.constant 4 : i32
      %mul3A_267 = arith.muli %add3A_159, %mul3A_266 : i32
      %add3A_268 = arith.constant 2 : i32
      %add3A_269 = arith.addi %mul3A_267, %add3A_268 : i32
      %dma_wait3A_270 = arith.constant 2 : i32
      %dma_wait3A_271 = arith.constant 2 : i32
      %dma_wait3A_272 = arith.constant 0 : i32
      %dma_wait3A_273 = arith.constant 0 : i32
      %dma_wait3A_274 = tpu.memref_slice %arg6[%dma_wait3A_270, %dma_wait3A_272, %dma_wait3A_273] : memref<4x256x64xf32, #tpu.memory_space<vmem>> -> memref<1x256x64xf32, #tpu.memory_space<vmem>>
      %dma_wait3A_275 = tpu.memref_squeeze %dma_wait3A_274 : memref<1x256x64xf32, #tpu.memory_space<vmem>> -> memref<256x64xf32, #tpu.memory_space<vmem>>
      %dma_wait3A_276 = arith.constant 0 : i32
      %dma_wait3A_277 = arith.constant 0 : i32
      %dma_wait3A_278 = tpu.memref_slice %arg4[%dma_wait3A_276, %dma_wait3A_277] : memref<819200x64xf32, #tpu.memory_space<hbm>> -> memref<256x64xf32, #tpu.memory_space<hbm>>
      %dma_wait3A_279 = tpu.memref_slice %arg7[%dma_wait3A_271] : memref<4x!tpu.dma_semaphore, #tpu.memory_space<semaphore_mem>> -> memref<1x!tpu.dma_semaphore, #tpu.memory_space<semaphore_mem>>
      %dma_wait3A_280 = tpu.memref_squeeze %dma_wait3A_279 : memref<1x!tpu.dma_semaphore, #tpu.memory_space<semaphore_mem>> -> memref<!tpu.dma_semaphore, #tpu.memory_space<semaphore_mem>>
      %dma_wait3A_281 = arith.constant 0 : i32
      %dma_wait3A_282 = arith.constant 0 : i32
      %dma_wait3A_283 = tpu.memref_slice %arg6[%dma_wait3A_270, %dma_wait3A_281, %dma_wait3A_282] : memref<4x256x64xf32, #tpu.memory_space<vmem>> -> memref<1x256x64xf32, #tpu.memory_space<vmem>>
      %dma_wait3A_284 = tpu.memref_squeeze %dma_wait3A_283 : memref<1x256x64xf32, #tpu.memory_space<vmem>> -> memref<256x64xf32, #tpu.memory_space<vmem>>
      %dma_wait3A_285 = arith.constant 0 : i32
      %dma_wait3A_286 = arith.constant 0 : i32
      %dma_wait3A_287 = tpu.memref_slice %arg4[%dma_wait3A_285, %dma_wait3A_286] : memref<819200x64xf32, #tpu.memory_space<hbm>> -> memref<256x64xf32, #tpu.memory_space<hbm>>
      tpu.wait_dma2 semaphore(%dma_wait3A_280 : memref<!tpu.dma_semaphore, #tpu.memory_space<semaphore_mem>>) src(%dma_wait3A_287 : memref<256x64xf32, #tpu.memory_space<hbm>>) dst(%dma_wait3A_284 : memref<256x64xf32, #tpu.memory_space<vmem>>)
      %scan3A_288 = arith.constant 0 : i32
      %scan3A_289 = arith.constant 256 : i32
      %scan3A_290 = arith.addi %scan3A_288, %scan3A_289 : i32
      %scan3A_291 = arith.constant 1 : i32
      scf.for %scan3A_376 = %scan3A_288 to %scan3A_290 step %scan3A_291  : i32 {
        %mul3A_377 = arith.constant 1 : i32
        %mul3A_378 = arith.muli %scan3A_376, %mul3A_377 : i32
        %add3A_379 = arith.constant 0 : i32
        %add3A_380 = arith.addi %add3A_379, %mul3A_378 : i32
        %get3A = arith.constant 2 : i32
        %get3A_381 = arith.index_cast %get3A : i32 to index
        %get3A_382 = arith.index_cast %add3A_380 : i32 to index
        %get3A_383 = arith.constant 0 : index
        %get3A_384 = tpu.vector_load %arg6[%get3A_381, %get3A_382, %get3A_383] {strides = array<i32>} : memref<4x256x64xf32, #tpu.memory_space<vmem>>, vector<1x1x16xf32>,
        %get3A_385 = vector.shape_cast %get3A_384 : vector<1x1x16xf32> to vector<16xf32>
        %mul3A_386 = arith.constant 8.000000e+00 : f32
        %mul3A_387 = vector.broadcast %mul3A_386 : f32 to vector<16xf32>
        %mul3A_388 = arith.mulf %get3A_385, %mul3A_387 : vector<16xf32>
        %swap3A = arith.constant 2 : i32
        %swap3A_389 = arith.index_cast %swap3A : i32 to index
        %swap3A_390 = arith.index_cast %add3A_380 : i32 to index
        %swap3A_391 = arith.constant 0 : index
        %swap3A_392 = tpu.vector_load %arg6[%swap3A_389, %swap3A_390, %swap3A_391] {strides = array<i32>} : memref<4x256x64xf32, #tpu.memory_space<vmem>>, vector<1x1x16xf32>,
        %swap3A_393 = vector.shape_cast %swap3A_392 : vector<1x1x16xf32> to vector<16xf32>
        %swap3A_394 = vector.shape_cast %mul3A_388 : vector<16xf32> to vector<1x1x16xf32>
        tpu.vector_store %arg6[%swap3A_389, %swap3A_390, %swap3A_391], %swap3A_394 {strides = array<i32>} : memref<4x256x64xf32, #tpu.memory_space<vmem>>, vector<1x1x16xf32>,
        %get3A_395 = arith.constant 2 : i32
        %get3A_396 = arith.index_cast %get3A_395 : i32 to index
        %get3A_397 = arith.index_cast %add3A_380 : i32 to index
        %get3A_398 = arith.constant 16 : index
        %get3A_399 = tpu.vector_load %arg6[%get3A_396, %get3A_397, %get3A_398] {strides = array<i32>} : memref<4x256x64xf32, #tpu.memory_space<vmem>>, vector<1x1x16xf32>,
        %get3A_400 = vector.shape_cast %get3A_399 : vector<1x1x16xf32> to vector<16xf32>
        %mul3A_401 = arith.constant 8.000000e+00 : f32
        %mul3A_402 = vector.broadcast %mul3A_401 : f32 to vector<16xf32>
        %mul3A_403 = arith.mulf %get3A_400, %mul3A_402 : vector<16xf32>
        %swap3A_404 = arith.constant 2 : i32
        %swap3A_405 = arith.index_cast %swap3A_404 : i32 to index
        %swap3A_406 = arith.index_cast %add3A_380 : i32 to index
        %swap3A_407 = arith.constant 16 : index
        %swap3A_408 = tpu.vector_load %arg6[%swap3A_405, %swap3A_406, %swap3A_407] {strides = array<i32>} : memref<4x256x64xf32, #tpu.memory_space<vmem>>, vector<1x1x16xf32>,
        %swap3A_409 = vector.shape_cast %swap3A_408 : vector<1x1x16xf32> to vector<16xf32>
        %swap3A_410 = vector.shape_cast %mul3A_403 : vector<16xf32> to vector<1x1x16xf32>
        tpu.vector_store %arg6[%swap3A_405, %swap3A_406, %swap3A_407], %swap3A_410 {strides = array<i32>} : memref<4x256x64xf32, #tpu.memory_space<vmem>>, vector<1x1x16xf32>,
        %get3A_411 = arith.constant 2 : i32
        %get3A_412 = arith.index_cast %get3A_411 : i32 to index
        %get3A_413 = arith.index_cast %add3A_380 : i32 to index
        %get3A_414 = arith.constant 32 : index
        %get3A_415 = tpu.vector_load %arg6[%get3A_412, %get3A_413, %get3A_414] {strides = array<i32>} : memref<4x256x64xf32, #tpu.memory_space<vmem>>, vector<1x1x16xf32>,
        %get3A_416 = vector.shape_cast %get3A_415 : vector<1x1x16xf32> to vector<16xf32>
        %mul3A_417 = arith.constant 8.000000e+00 : f32
        %mul3A_418 = vector.broadcast %mul3A_417 : f32 to vector<16xf32>
        %mul3A_419 = arith.mulf %get3A_416, %mul3A_418 : vector<16xf32>
        %swap3A_420 = arith.constant 2 : i32
        %swap3A_421 = arith.index_cast %swap3A_420 : i32 to index
        %swap3A_422 = arith.index_cast %add3A_380 : i32 to index
        %swap3A_423 = arith.constant 32 : index
        %swap3A_424 = tpu.vector_load %arg6[%swap3A_421, %swap3A_422, %swap3A_423] {strides = array<i32>} : memref<4x256x64xf32, #tpu.memory_space<vmem>>, vector<1x1x16xf32>,
        %swap3A_425 = vector.shape_cast %swap3A_424 : vector<1x1x16xf32> to vector<16xf32>
        %swap3A_426 = vector.shape_cast %mul3A_419 : vector<16xf32> to vector<1x1x16xf32>
        tpu.vector_store %arg6[%swap3A_421, %swap3A_422, %swap3A_423], %swap3A_426 {strides = array<i32>} : memref<4x256x64xf32, #tpu.memory_space<vmem>>, vector<1x1x16xf32>,
        %get3A_427 = arith.constant 2 : i32
        %get3A_428 = arith.index_cast %get3A_427 : i32 to index
        %get3A_429 = arith.index_cast %add3A_380 : i32 to index
        %get3A_430 = arith.constant 48 : index
        %get3A_431 = tpu.vector_load %arg6[%get3A_428, %get3A_429, %get3A_430] {strides = array<i32>} : memref<4x256x64xf32, #tpu.memory_space<vmem>>, vector<1x1x16xf32>,
        %get3A_432 = vector.shape_cast %get3A_431 : vector<1x1x16xf32> to vector<16xf32>
        %mul3A_433 = arith.constant 8.000000e+00 : f32
        %mul3A_434 = vector.broadcast %mul3A_433 : f32 to vector<16xf32>
        %mul3A_435 = arith.mulf %get3A_432, %mul3A_434 : vector<16xf32>
        %swap3A_436 = arith.constant 2 : i32
        %swap3A_437 = arith.index_cast %swap3A_436 : i32 to index
        %swap3A_438 = arith.index_cast %add3A_380 : i32 to index
        %swap3A_439 = arith.constant 48 : index
        %swap3A_440 = tpu.vector_load %arg6[%swap3A_437, %swap3A_438, %swap3A_439] {strides = array<i32>} : memref<4x256x64xf32, #tpu.memory_space<vmem>>, vector<1x1x16xf32>,
        %swap3A_441 = vector.shape_cast %swap3A_440 : vector<1x1x16xf32> to vector<16xf32>
        %swap3A_442 = vector.shape_cast %mul3A_435 : vector<16xf32> to vector<1x1x16xf32>
        tpu.vector_store %arg6[%swap3A_437, %swap3A_438, %swap3A_439], %swap3A_442 {strides = array<i32>} : memref<4x256x64xf32, #tpu.memory_space<vmem>>, vector<1x1x16xf32>,
      }
      %scan3A_292 = arith.constant 256 : i32
      %mul3A_293 = arith.constant 256 : i32
      %mul3A_294 = arith.muli %add3A_269, %mul3A_293 : i32
      %add3A_295 = arith.addi %mul3A_2, %mul3A_294 : i32
      %dma_start3A_296 = arith.constant 2 : i32
      %dma_start3A_297 = arith.constant 2 : i32
      %dma_start3A_298 = arith.constant 0 : i32
      %dma_start3A_299 = arith.constant 0 : i32
      %dma_start3A_300 = tpu.memref_slice %arg6[%dma_start3A_296, %dma_start3A_298, %dma_start3A_299] : memref<4x256x64xf32, #tpu.memory_space<vmem>> -> memref<1x256x64xf32, #tpu.memory_space<vmem>>
      %dma_start3A_301 = tpu.memref_squeeze %dma_start3A_300 : memref<1x256x64xf32, #tpu.memory_space<vmem>> -> memref<256x64xf32, #tpu.memory_space<vmem>>
      %dma_start3A_302 = arith.constant 0 : i32
      %dma_start3A_303 = tpu.memref_slice %arg4[%add3A_295, %dma_start3A_302] : memref<819200x64xf32, #tpu.memory_space<hbm>> -> memref<256x64xf32, #tpu.memory_space<hbm>>
      %dma_start3A_304 = tpu.memref_slice %arg8[%dma_start3A_297] : memref<4x!tpu.dma_semaphore, #tpu.memory_space<semaphore_mem>> -> memref<1x!tpu.dma_semaphore, #tpu.memory_space<semaphore_mem>>
      %dma_start3A_305 = tpu.memref_squeeze %dma_start3A_304 : memref<1x!tpu.dma_semaphore, #tpu.memory_space<semaphore_mem>> -> memref<!tpu.dma_semaphore, #tpu.memory_space<semaphore_mem>>
      %dma_start3A_306 = arith.constant 0 : i32
      %dma_start3A_307 = tpu.memref_slice %arg4[%add3A_295, %dma_start3A_306] : memref<819200x64xf32, #tpu.memory_space<hbm>> -> memref<256x64xf32, #tpu.memory_space<hbm>>
      %dma_start3A_308 = arith.constant 0 : i32
      %dma_start3A_309 = arith.constant 0 : i32
      %dma_start3A_310 = tpu.memref_slice %arg6[%dma_start3A_296, %dma_start3A_308, %dma_start3A_309] : memref<4x256x64xf32, #tpu.memory_space<vmem>> -> memref<1x256x64xf32, #tpu.memory_space<vmem>>
      %dma_start3A_311 = tpu.memref_squeeze %dma_start3A_310 : memref<1x256x64xf32, #tpu.memory_space<vmem>> -> memref<256x64xf32, #tpu.memory_space<vmem>>
      tpu.enqueue_dma source(%dma_start3A_311 : memref<256x64xf32, #tpu.memory_space<vmem>>) target(%dma_start3A_307 : memref<256x64xf32, #tpu.memory_space<hbm>>) target_semaphore(%dma_start3A_305 : memref<!tpu.dma_semaphore, #tpu.memory_space<semaphore_mem>>)
      %add3A_312 = arith.constant 4 : i32
      %add3A_313 = arith.addi %add3A_269, %add3A_312 : i32
      %sub3A_314 = arith.constant 1 : i32
      %sub3A_315 = arith.subi %add3A_313, %sub3A_314 : i32
      %lt3A_316 = arith.constant 100 : i32
      %lt3A_317 = arith.cmpi slt, %sub3A_315, %lt3A_316 : i32
      %convert_element_type3A_318 = arith.extui %lt3A_317 : i1 to i32
      %cond3A_319 = arith.constant 0 : i32
      %cond3A_320 = arith.cmpi ne, %convert_element_type3A_318, %cond3A_319 : i32
      scf.if %cond3A_320 {
        %ge3A = arith.constant 4 : i32
        %ge3A_376 = arith.cmpi sge, %sub3A_315, %ge3A : i32
        %convert_element_type3A_377 = arith.extui %ge3A_376 : i1 to i32
        %cond3A_378 = arith.constant 0 : i32
        %cond3A_379 = arith.cmpi ne, %convert_element_type3A_377, %cond3A_378 : i32
        scf.if %cond3A_379 {
          %dma_wait3A_412 = arith.constant 1 : i32
          %dma_wait3A_413 = arith.constant 1 : i32
          %dma_wait3A_414 = arith.constant 0 : i32
          %dma_wait3A_415 = arith.constant 0 : i32
          %dma_wait3A_416 = tpu.memref_slice %arg6[%dma_wait3A_412, %dma_wait3A_414, %dma_wait3A_415] : memref<4x256x64xf32, #tpu.memory_space<vmem>> -> memref<1x256x64xf32, #tpu.memory_space<vmem>>
          %dma_wait3A_417 = tpu.memref_squeeze %dma_wait3A_416 : memref<1x256x64xf32, #tpu.memory_space<vmem>> -> memref<256x64xf32, #tpu.memory_space<vmem>>
          %dma_wait3A_418 = arith.constant 0 : i32
          %dma_wait3A_419 = arith.constant 0 : i32
          %dma_wait3A_420 = tpu.memref_slice %arg4[%dma_wait3A_418, %dma_wait3A_419] : memref<819200x64xf32, #tpu.memory_space<hbm>> -> memref<256x64xf32, #tpu.memory_space<hbm>>
          %dma_wait3A_421 = tpu.memref_slice %arg8[%dma_wait3A_413] : memref<4x!tpu.dma_semaphore, #tpu.memory_space<semaphore_mem>> -> memref<1x!tpu.dma_semaphore, #tpu.memory_space<semaphore_mem>>
          %dma_wait3A_422 = tpu.memref_squeeze %dma_wait3A_421 : memref<1x!tpu.dma_semaphore, #tpu.memory_space<semaphore_mem>> -> memref<!tpu.dma_semaphore, #tpu.memory_space<semaphore_mem>>
          %dma_wait3A_423 = arith.constant 0 : i32
          %dma_wait3A_424 = arith.constant 0 : i32
          %dma_wait3A_425 = tpu.memref_slice %arg4[%dma_wait3A_423, %dma_wait3A_424] : memref<819200x64xf32, #tpu.memory_space<hbm>> -> memref<256x64xf32, #tpu.memory_space<hbm>>
          %dma_wait3A_426 = arith.constant 0 : i32
          %dma_wait3A_427 = arith.constant 0 : i32
          %dma_wait3A_428 = tpu.memref_slice %arg6[%dma_wait3A_412, %dma_wait3A_426, %dma_wait3A_427] : memref<4x256x64xf32, #tpu.memory_space<vmem>> -> memref<1x256x64xf32, #tpu.memory_space<vmem>>
          %dma_wait3A_429 = tpu.memref_squeeze %dma_wait3A_428 : memref<1x256x64xf32, #tpu.memory_space<vmem>> -> memref<256x64xf32, #tpu.memory_space<vmem>>
          tpu.wait_dma2 semaphore(%dma_wait3A_422 : memref<!tpu.dma_semaphore, #tpu.memory_space<semaphore_mem>>) src(%dma_wait3A_429 : memref<256x64xf32, #tpu.memory_space<vmem>>) dst(%dma_wait3A_425 : memref<256x64xf32, #tpu.memory_space<hbm>>)
        } else {
        }
        %mul3A_380 = arith.constant 256 : i32
        %mul3A_381 = arith.muli %sub3A_315, %mul3A_380 : i32
        %add3A_382 = arith.constant 0 : i32
        %add3A_383 = arith.addi %mul3A_381, %add3A_382 : i32
        %dma_start3A_384 = arith.constant 1 : i32
        %dma_start3A_385 = arith.constant 1 : i32
        %dma_start3A_386 = arith.constant 0 : i32
        %dma_start3A_387 = arith.constant 0 : i32
        %dma_start3A_388 = tpu.memref_slice %arg6[%dma_start3A_384, %dma_start3A_386, %dma_start3A_387] : memref<4x256x64xf32, #tpu.memory_space<vmem>> -> memref<1x128x64xf32, #tpu.memory_space<vmem>>
        %dma_start3A_389 = tpu.memref_squeeze %dma_start3A_388 : memref<1x128x64xf32, #tpu.memory_space<vmem>> -> memref<128x64xf32, #tpu.memory_space<vmem>>
        %dma_start3A_390 = tpu.memref_slice %arg5[%add3A_383] : memref<25600xi32, #tpu.memory_space<vmem>> -> memref<128xi32, #tpu.memory_space<vmem>>
        %dma_start3A_391 = arith.constant 0 : i32
        %dma_start3A_392 = arith.constant 0 : i32
        %dma_start3A_393 = tpu.memref_slice %arg2[%dma_start3A_391, %dma_start3A_392] : memref<1000000x64xf32, #tpu.memory_space<hbm>> -> memref<1000000x64xf32, #tpu.memory_space<hbm>>
        %dma_start3A_394 = tpu.memref_slice %arg7[%dma_start3A_385] : memref<4x!tpu.dma_semaphore, #tpu.memory_space<semaphore_mem>> -> memref<1x!tpu.dma_semaphore, #tpu.memory_space<semaphore_mem>>
        %dma_start3A_395 = tpu.memref_squeeze %dma_start3A_394 : memref<1x!tpu.dma_semaphore, #tpu.memory_space<semaphore_mem>> -> memref<!tpu.dma_semaphore, #tpu.memory_space<semaphore_mem>>
        tpu.enqueue_indirect_dma source(%dma_start3A_393 : memref<1000000x64xf32, #tpu.memory_space<hbm>>) target(%dma_start3A_389 : memref<128x64xf32, #tpu.memory_space<vmem>>) offsets(%dma_start3A_390 : memref<128xi32, #tpu.memory_space<vmem>>) semaphore(%dma_start3A_395 : memref<!tpu.dma_semaphore, #tpu.memory_space<semaphore_mem>>)
        %mul3A_396 = arith.constant 256 : i32
        %mul3A_397 = arith.muli %sub3A_315, %mul3A_396 : i32
        %add3A_398 = arith.constant 128 : i32
        %add3A_399 = arith.addi %mul3A_397, %add3A_398 : i32
        %dma_start3A_400 = arith.constant 1 : i32
        %dma_start3A_401 = arith.constant 1 : i32
        %dma_start3A_402 = arith.constant 128 : i32
        %dma_start3A_403 = arith.constant 0 : i32
        %dma_start3A_404 = tpu.memref_slice %arg6[%dma_start3A_400, %dma_start3A_402, %dma_start3A_403] : memref<4x256x64xf32, #tpu.memory_space<vmem>> -> memref<1x128x64xf32, #tpu.memory_space<vmem>>
        %dma_start3A_405 = tpu.memref_squeeze %dma_start3A_404 : memref<1x128x64xf32, #tpu.memory_space<vmem>> -> memref<128x64xf32, #tpu.memory_space<vmem>>
        %dma_start3A_406 = tpu.memref_slice %arg5[%add3A_399] : memref<25600xi32, #tpu.memory_space<vmem>> -> memref<128xi32, #tpu.memory_space<vmem>>
        %dma_start3A_407 = arith.constant 0 : i32
        %dma_start3A_408 = arith.constant 0 : i32
        %dma_start3A_409 = tpu.memref_slice %arg2[%dma_start3A_407, %dma_start3A_408] : memref<1000000x64xf32, #tpu.memory_space<hbm>> -> memref<1000000x64xf32, #tpu.memory_space<hbm>>
        %dma_start3A_410 = tpu.memref_slice %arg7[%dma_start3A_401] : memref<4x!tpu.dma_semaphore, #tpu.memory_space<semaphore_mem>> -> memref<1x!tpu.dma_semaphore, #tpu.memory_space<semaphore_mem>>
        %dma_start3A_411 = tpu.memref_squeeze %dma_start3A_410 : memref<1x!tpu.dma_semaphore, #tpu.memory_space<semaphore_mem>> -> memref<!tpu.dma_semaphore, #tpu.memory_space<semaphore_mem>>
        tpu.enqueue_indirect_dma source(%dma_start3A_409 : memref<1000000x64xf32, #tpu.memory_space<hbm>>) target(%dma_start3A_405 : memref<128x64xf32, #tpu.memory_space<vmem>>) offsets(%dma_start3A_406 : memref<128xi32, #tpu.memory_space<vmem>>) semaphore(%dma_start3A_411 : memref<!tpu.dma_semaphore, #tpu.memory_space<semaphore_mem>>)
      } else {
      }
      %mul3A_321 = arith.constant 4 : i32
      %mul3A_322 = arith.muli %add3A_159, %mul3A_321 : i32
      %add3A_323 = arith.constant 3 : i32
      %add3A_324 = arith.addi %mul3A_322, %add3A_323 : i32
      %dma_wait3A_325 = arith.constant 3 : i32
      %dma_wait3A_326 = arith.constant 3 : i32
      %dma_wait3A_327 = arith.constant 0 : i32
      %dma_wait3A_328 = arith.constant 0 : i32
      %dma_wait3A_329 = tpu.memref_slice %arg6[%dma_wait3A_325, %dma_wait3A_327, %dma_wait3A_328] : memref<4x256x64xf32, #tpu.memory_space<vmem>> -> memref<1x256x64xf32, #tpu.memory_space<vmem>>
      %dma_wait3A_330 = tpu.memref_squeeze %dma_wait3A_329 : memref<1x256x64xf32, #tpu.memory_space<vmem>> -> memref<256x64xf32, #tpu.memory_space<vmem>>
      %dma_wait3A_331 = arith.constant 0 : i32
      %dma_wait3A_332 = arith.constant 0 : i32
      %dma_wait3A_333 = tpu.memref_slice %arg4[%dma_wait3A_331, %dma_wait3A_332] : memref<819200x64xf32, #tpu.memory_space<hbm>> -> memref<256x64xf32, #tpu.memory_space<hbm>>
      %dma_wait3A_334 = tpu.memref_slice %arg7[%dma_wait3A_326] : memref<4x!tpu.dma_semaphore, #tpu.memory_space<semaphore_mem>> -> memref<1x!tpu.dma_semaphore, #tpu.memory_space<semaphore_mem>>
      %dma_wait3A_335 = tpu.memref_squeeze %dma_wait3A_334 : memref<1x!tpu.dma_semaphore, #tpu.memory_space<semaphore_mem>> -> memref<!tpu.dma_semaphore, #tpu.memory_space<semaphore_mem>>
      %dma_wait3A_336 = arith.constant 0 : i32
      %dma_wait3A_337 = arith.constant 0 : i32
      %dma_wait3A_338 = tpu.memref_slice %arg6[%dma_wait3A_325, %dma_wait3A_336, %dma_wait3A_337] : memref<4x256x64xf32, #tpu.memory_space<vmem>> -> memref<1x256x64xf32, #tpu.memory_space<vmem>>
      %dma_wait3A_339 = tpu.memref_squeeze %dma_wait3A_338 : memref<1x256x64xf32, #tpu.memory_space<vmem>> -> memref<256x64xf32, #tpu.memory_space<vmem>>
      %dma_wait3A_340 = arith.constant 0 : i32
      %dma_wait3A_341 = arith.constant 0 : i32
      %dma_wait3A_342 = tpu.memref_slice %arg4[%dma_wait3A_340, %dma_wait3A_341] : memref<819200x64xf32, #tpu.memory_space<hbm>> -> memref<256x64xf32, #tpu.memory_space<hbm>>
      tpu.wait_dma2 semaphore(%dma_wait3A_335 : memref<!tpu.dma_semaphore, #tpu.memory_space<semaphore_mem>>) src(%dma_wait3A_342 : memref<256x64xf32, #tpu.memory_space<hbm>>) dst(%dma_wait3A_339 : memref<256x64xf32, #tpu.memory_space<vmem>>)
      %scan3A_343 = arith.constant 0 : i32
      %scan3A_344 = arith.constant 256 : i32
      %scan3A_345 = arith.addi %scan3A_343, %scan3A_344 : i32
      %scan3A_346 = arith.constant 1 : i32
      scf.for %scan3A_376 = %scan3A_343 to %scan3A_345 step %scan3A_346  : i32 {
        %mul3A_377 = arith.constant 1 : i32
        %mul3A_378 = arith.muli %scan3A_376, %mul3A_377 : i32
        %add3A_379 = arith.constant 0 : i32
        %add3A_380 = arith.addi %add3A_379, %mul3A_378 : i32
        %get3A = arith.constant 3 : i32
        %get3A_381 = arith.index_cast %get3A : i32 to index
        %get3A_382 = arith.index_cast %add3A_380 : i32 to index
        %get3A_383 = arith.constant 0 : index
        %get3A_384 = tpu.vector_load %arg6[%get3A_381, %get3A_382, %get3A_383] {strides = array<i32>} : memref<4x256x64xf32, #tpu.memory_space<vmem>>, vector<1x1x16xf32>,
        %get3A_385 = vector.shape_cast %get3A_384 : vector<1x1x16xf32> to vector<16xf32>
        %mul3A_386 = arith.constant 8.000000e+00 : f32
        %mul3A_387 = vector.broadcast %mul3A_386 : f32 to vector<16xf32>
        %mul3A_388 = arith.mulf %get3A_385, %mul3A_387 : vector<16xf32>
        %swap3A = arith.constant 3 : i32
        %swap3A_389 = arith.index_cast %swap3A : i32 to index
        %swap3A_390 = arith.index_cast %add3A_380 : i32 to index
        %swap3A_391 = arith.constant 0 : index
        %swap3A_392 = tpu.vector_load %arg6[%swap3A_389, %swap3A_390, %swap3A_391] {strides = array<i32>} : memref<4x256x64xf32, #tpu.memory_space<vmem>>, vector<1x1x16xf32>,
        %swap3A_393 = vector.shape_cast %swap3A_392 : vector<1x1x16xf32> to vector<16xf32>
        %swap3A_394 = vector.shape_cast %mul3A_388 : vector<16xf32> to vector<1x1x16xf32>
        tpu.vector_store %arg6[%swap3A_389, %swap3A_390, %swap3A_391], %swap3A_394 {strides = array<i32>} : memref<4x256x64xf32, #tpu.memory_space<vmem>>, vector<1x1x16xf32>,
        %get3A_395 = arith.constant 3 : i32
        %get3A_396 = arith.index_cast %get3A_395 : i32 to index
        %get3A_397 = arith.index_cast %add3A_380 : i32 to index
        %get3A_398 = arith.constant 16 : index
        %get3A_399 = tpu.vector_load %arg6[%get3A_396, %get3A_397, %get3A_398] {strides = array<i32>} : memref<4x256x64xf32, #tpu.memory_space<vmem>>, vector<1x1x16xf32>,
        %get3A_400 = vector.shape_cast %get3A_399 : vector<1x1x16xf32> to vector<16xf32>
        %mul3A_401 = arith.constant 8.000000e+00 : f32
        %mul3A_402 = vector.broadcast %mul3A_401 : f32 to vector<16xf32>
        %mul3A_403 = arith.mulf %get3A_400, %mul3A_402 : vector<16xf32>
        %swap3A_404 = arith.constant 3 : i32
        %swap3A_405 = arith.index_cast %swap3A_404 : i32 to index
        %swap3A_406 = arith.index_cast %add3A_380 : i32 to index
        %swap3A_407 = arith.constant 16 : index
        %swap3A_408 = tpu.vector_load %arg6[%swap3A_405, %swap3A_406, %swap3A_407] {strides = array<i32>} : memref<4x256x64xf32, #tpu.memory_space<vmem>>, vector<1x1x16xf32>,
        %swap3A_409 = vector.shape_cast %swap3A_408 : vector<1x1x16xf32> to vector<16xf32>
        %swap3A_410 = vector.shape_cast %mul3A_403 : vector<16xf32> to vector<1x1x16xf32>
        tpu.vector_store %arg6[%swap3A_405, %swap3A_406, %swap3A_407], %swap3A_410 {strides = array<i32>} : memref<4x256x64xf32, #tpu.memory_space<vmem>>, vector<1x1x16xf32>,
        %get3A_411 = arith.constant 3 : i32
        %get3A_412 = arith.index_cast %get3A_411 : i32 to index
        %get3A_413 = arith.index_cast %add3A_380 : i32 to index
        %get3A_414 = arith.constant 32 : index
        %get3A_415 = tpu.vector_load %arg6[%get3A_412, %get3A_413, %get3A_414] {strides = array<i32>} : memref<4x256x64xf32, #tpu.memory_space<vmem>>, vector<1x1x16xf32>,
        %get3A_416 = vector.shape_cast %get3A_415 : vector<1x1x16xf32> to vector<16xf32>
        %mul3A_417 = arith.constant 8.000000e+00 : f32
        %mul3A_418 = vector.broadcast %mul3A_417 : f32 to vector<16xf32>
        %mul3A_419 = arith.mulf %get3A_416, %mul3A_418 : vector<16xf32>
        %swap3A_420 = arith.constant 3 : i32
        %swap3A_421 = arith.index_cast %swap3A_420 : i32 to index
        %swap3A_422 = arith.index_cast %add3A_380 : i32 to index
        %swap3A_423 = arith.constant 32 : index
        %swap3A_424 = tpu.vector_load %arg6[%swap3A_421, %swap3A_422, %swap3A_423] {strides = array<i32>} : memref<4x256x64xf32, #tpu.memory_space<vmem>>, vector<1x1x16xf32>,
        %swap3A_425 = vector.shape_cast %swap3A_424 : vector<1x1x16xf32> to vector<16xf32>
        %swap3A_426 = vector.shape_cast %mul3A_419 : vector<16xf32> to vector<1x1x16xf32>
        tpu.vector_store %arg6[%swap3A_421, %swap3A_422, %swap3A_423], %swap3A_426 {strides = array<i32>} : memref<4x256x64xf32, #tpu.memory_space<vmem>>, vector<1x1x16xf32>,
        %get3A_427 = arith.constant 3 : i32
        %get3A_428 = arith.index_cast %get3A_427 : i32 to index
        %get3A_429 = arith.index_cast %add3A_380 : i32 to index
        %get3A_430 = arith.constant 48 : index
        %get3A_431 = tpu.vector_load %arg6[%get3A_428, %get3A_429, %get3A_430] {strides = array<i32>} : memref<4x256x64xf32, #tpu.memory_space<vmem>>, vector<1x1x16xf32>,
        %get3A_432 = vector.shape_cast %get3A_431 : vector<1x1x16xf32> to vector<16xf32>
        %mul3A_433 = arith.constant 8.000000e+00 : f32
        %mul3A_434 = vector.broadcast %mul3A_433 : f32 to vector<16xf32>
        %mul3A_435 = arith.mulf %get3A_432, %mul3A_434 : vector<16xf32>
        %swap3A_436 = arith.constant 3 : i32
        %swap3A_437 = arith.index_cast %swap3A_436 : i32 to index
        %swap3A_438 = arith.index_cast %add3A_380 : i32 to index
        %swap3A_439 = arith.constant 48 : index
        %swap3A_440 = tpu.vector_load %arg6[%swap3A_437, %swap3A_438, %swap3A_439] {strides = array<i32>} : memref<4x256x64xf32, #tpu.memory_space<vmem>>, vector<1x1x16xf32>,
        %swap3A_441 = vector.shape_cast %swap3A_440 : vector<1x1x16xf32> to vector<16xf32>
        %swap3A_442 = vector.shape_cast %mul3A_435 : vector<16xf32> to vector<1x1x16xf32>
        tpu.vector_store %arg6[%swap3A_437, %swap3A_438, %swap3A_439], %swap3A_442 {strides = array<i32>} : memref<4x256x64xf32, #tpu.memory_space<vmem>>, vector<1x1x16xf32>,
      }
      %scan3A_347 = arith.constant 256 : i32
      %mul3A_348 = arith.constant 256 : i32
      %mul3A_349 = arith.muli %add3A_324, %mul3A_348 : i32
      %add3A_350 = arith.addi %mul3A_2, %mul3A_349 : i32
      %dma_start3A_351 = arith.constant 3 : i32
      %dma_start3A_352 = arith.constant 3 : i32
      %dma_start3A_353 = arith.constant 0 : i32
      %dma_start3A_354 = arith.constant 0 : i32
      %dma_start3A_355 = tpu.memref_slice %arg6[%dma_start3A_351, %dma_start3A_353, %dma_start3A_354] : memref<4x256x64xf32, #tpu.memory_space<vmem>> -> memref<1x256x64xf32, #tpu.memory_space<vmem>>
      %dma_start3A_356 = tpu.memref_squeeze %dma_start3A_355 : memref<1x256x64xf32, #tpu.memory_space<vmem>> -> memref<256x64xf32, #tpu.memory_space<vmem>>
      %dma_start3A_357 = arith.constant 0 : i32
      %dma_start3A_358 = tpu.memref_slice %arg4[%add3A_350, %dma_start3A_357] : memref<819200x64xf32, #tpu.memory_space<hbm>> -> memref<256x64xf32, #tpu.memory_space<hbm>>
      %dma_start3A_359 = tpu.memref_slice %arg8[%dma_start3A_352] : memref<4x!tpu.dma_semaphore, #tpu.memory_space<semaphore_mem>> -> memref<1x!tpu.dma_semaphore, #tpu.memory_space<semaphore_mem>>
      %dma_start3A_360 = tpu.memref_squeeze %dma_start3A_359 : memref<1x!tpu.dma_semaphore, #tpu.memory_space<semaphore_mem>> -> memref<!tpu.dma_semaphore, #tpu.memory_space<semaphore_mem>>
      %dma_start3A_361 = arith.constant 0 : i32
      %dma_start3A_362 = tpu.memref_slice %arg4[%add3A_350, %dma_start3A_361] : memref<819200x64xf32, #tpu.memory_space<hbm>> -> memref<256x64xf32, #tpu.memory_space<hbm>>
      %dma_start3A_363 = arith.constant 0 : i32
      %dma_start3A_364 = arith.constant 0 : i32
      %dma_start3A_365 = tpu.memref_slice %arg6[%dma_start3A_351, %dma_start3A_363, %dma_start3A_364] : memref<4x256x64xf32, #tpu.memory_space<vmem>> -> memref<1x256x64xf32, #tpu.memory_space<vmem>>
      %dma_start3A_366 = tpu.memref_squeeze %dma_start3A_365 : memref<1x256x64xf32, #tpu.memory_space<vmem>> -> memref<256x64xf32, #tpu.memory_space<vmem>>
      tpu.enqueue_dma source(%dma_start3A_366 : memref<256x64xf32, #tpu.memory_space<vmem>>) target(%dma_start3A_362 : memref<256x64xf32, #tpu.memory_space<hbm>>) target_semaphore(%dma_start3A_360 : memref<!tpu.dma_semaphore, #tpu.memory_space<semaphore_mem>>)
      %add3A_367 = arith.constant 4 : i32
      %add3A_368 = arith.addi %add3A_324, %add3A_367 : i32
      %sub3A_369 = arith.constant 1 : i32
      %sub3A_370 = arith.subi %add3A_368, %sub3A_369 : i32
      %lt3A_371 = arith.constant 100 : i32
      %lt3A_372 = arith.cmpi slt, %sub3A_370, %lt3A_371 : i32
      %convert_element_type3A_373 = arith.extui %lt3A_372 : i1 to i32
      %cond3A_374 = arith.constant 0 : i32
      %cond3A_375 = arith.cmpi ne, %convert_element_type3A_373, %cond3A_374 : i32
      scf.if %cond3A_375 {
        %ge3A = arith.constant 4 : i32
        %ge3A_376 = arith.cmpi sge, %sub3A_370, %ge3A : i32
        %convert_element_type3A_377 = arith.extui %ge3A_376 : i1 to i32
        %cond3A_378 = arith.constant 0 : i32
        %cond3A_379 = arith.cmpi ne, %convert_element_type3A_377, %cond3A_378 : i32
        scf.if %cond3A_379 {
          %dma_wait3A_412 = arith.constant 2 : i32
          %dma_wait3A_413 = arith.constant 2 : i32
          %dma_wait3A_414 = arith.constant 0 : i32
          %dma_wait3A_415 = arith.constant 0 : i32
          %dma_wait3A_416 = tpu.memref_slice %arg6[%dma_wait3A_412, %dma_wait3A_414, %dma_wait3A_415] : memref<4x256x64xf32, #tpu.memory_space<vmem>> -> memref<1x256x64xf32, #tpu.memory_space<vmem>>
          %dma_wait3A_417 = tpu.memref_squeeze %dma_wait3A_416 : memref<1x256x64xf32, #tpu.memory_space<vmem>> -> memref<256x64xf32, #tpu.memory_space<vmem>>
          %dma_wait3A_418 = arith.constant 0 : i32
          %dma_wait3A_419 = arith.constant 0 : i32
          %dma_wait3A_420 = tpu.memref_slice %arg4[%dma_wait3A_418, %dma_wait3A_419] : memref<819200x64xf32, #tpu.memory_space<hbm>> -> memref<256x64xf32, #tpu.memory_space<hbm>>
          %dma_wait3A_421 = tpu.memref_slice %arg8[%dma_wait3A_413] : memref<4x!tpu.dma_semaphore, #tpu.memory_space<semaphore_mem>> -> memref<1x!tpu.dma_semaphore, #tpu.memory_space<semaphore_mem>>
          %dma_wait3A_422 = tpu.memref_squeeze %dma_wait3A_421 : memref<1x!tpu.dma_semaphore, #tpu.memory_space<semaphore_mem>> -> memref<!tpu.dma_semaphore, #tpu.memory_space<semaphore_mem>>
          %dma_wait3A_423 = arith.constant 0 : i32
          %dma_wait3A_424 = arith.constant 0 : i32
          %dma_wait3A_425 = tpu.memref_slice %arg4[%dma_wait3A_423, %dma_wait3A_424] : memref<819200x64xf32, #tpu.memory_space<hbm>> -> memref<256x64xf32, #tpu.memory_space<hbm>>
          %dma_wait3A_426 = arith.constant 0 : i32
          %dma_wait3A_427 = arith.constant 0 : i32
          %dma_wait3A_428 = tpu.memref_slice %arg6[%dma_wait3A_412, %dma_wait3A_426, %dma_wait3A_427] : memref<4x256x64xf32, #tpu.memory_space<vmem>> -> memref<1x256x64xf32, #tpu.memory_space<vmem>>
          %dma_wait3A_429 = tpu.memref_squeeze %dma_wait3A_428 : memref<1x256x64xf32, #tpu.memory_space<vmem>> -> memref<256x64xf32, #tpu.memory_space<vmem>>
          tpu.wait_dma2 semaphore(%dma_wait3A_422 : memref<!tpu.dma_semaphore, #tpu.memory_space<semaphore_mem>>) src(%dma_wait3A_429 : memref<256x64xf32, #tpu.memory_space<vmem>>) dst(%dma_wait3A_425 : memref<256x64xf32, #tpu.memory_space<hbm>>)
        } else {
        }
        %mul3A_380 = arith.constant 256 : i32
        %mul3A_381 = arith.muli %sub3A_370, %mul3A_380 : i32
        %add3A_382 = arith.constant 0 : i32
        %add3A_383 = arith.addi %mul3A_381, %add3A_382 : i32
        %dma_start3A_384 = arith.constant 2 : i32
        %dma_start3A_385 = arith.constant 2 : i32
        %dma_start3A_386 = arith.constant 0 : i32
        %dma_start3A_387 = arith.constant 0 : i32
        %dma_start3A_388 = tpu.memref_slice %arg6[%dma_start3A_384, %dma_start3A_386, %dma_start3A_387] : memref<4x256x64xf32, #tpu.memory_space<vmem>> -> memref<1x128x64xf32, #tpu.memory_space<vmem>>
        %dma_start3A_389 = tpu.memref_squeeze %dma_start3A_388 : memref<1x128x64xf32, #tpu.memory_space<vmem>> -> memref<128x64xf32, #tpu.memory_space<vmem>>
        %dma_start3A_390 = tpu.memref_slice %arg5[%add3A_383] : memref<25600xi32, #tpu.memory_space<vmem>> -> memref<128xi32, #tpu.memory_space<vmem>>
        %dma_start3A_391 = arith.constant 0 : i32
        %dma_start3A_392 = arith.constant 0 : i32
        %dma_start3A_393 = tpu.memref_slice %arg2[%dma_start3A_391, %dma_start3A_392] : memref<1000000x64xf32, #tpu.memory_space<hbm>> -> memref<1000000x64xf32, #tpu.memory_space<hbm>>
        %dma_start3A_394 = tpu.memref_slice %arg7[%dma_start3A_385] : memref<4x!tpu.dma_semaphore, #tpu.memory_space<semaphore_mem>> -> memref<1x!tpu.dma_semaphore, #tpu.memory_space<semaphore_mem>>
        %dma_start3A_395 = tpu.memref_squeeze %dma_start3A_394 : memref<1x!tpu.dma_semaphore, #tpu.memory_space<semaphore_mem>> -> memref<!tpu.dma_semaphore, #tpu.memory_space<semaphore_mem>>
        tpu.enqueue_indirect_dma source(%dma_start3A_393 : memref<1000000x64xf32, #tpu.memory_space<hbm>>) target(%dma_start3A_389 : memref<128x64xf32, #tpu.memory_space<vmem>>) offsets(%dma_start3A_390 : memref<128xi32, #tpu.memory_space<vmem>>) semaphore(%dma_start3A_395 : memref<!tpu.dma_semaphore, #tpu.memory_space<semaphore_mem>>)
        %mul3A_396 = arith.constant 256 : i32
        %mul3A_397 = arith.muli %sub3A_370, %mul3A_396 : i32
        %add3A_398 = arith.constant 128 : i32
        %add3A_399 = arith.addi %mul3A_397, %add3A_398 : i32
        %dma_start3A_400 = arith.constant 2 : i32
        %dma_start3A_401 = arith.constant 2 : i32
        %dma_start3A_402 = arith.constant 128 : i32
        %dma_start3A_403 = arith.constant 0 : i32
        %dma_start3A_404 = tpu.memref_slice %arg6[%dma_start3A_400, %dma_start3A_402, %dma_start3A_403] : memref<4x256x64xf32, #tpu.memory_space<vmem>> -> memref<1x128x64xf32, #tpu.memory_space<vmem>>
        %dma_start3A_405 = tpu.memref_squeeze %dma_start3A_404 : memref<1x128x64xf32, #tpu.memory_space<vmem>> -> memref<128x64xf32, #tpu.memory_space<vmem>>
        %dma_start3A_406 = tpu.memref_slice %arg5[%add3A_399] : memref<25600xi32, #tpu.memory_space<vmem>> -> memref<128xi32, #tpu.memory_space<vmem>>
        %dma_start3A_407 = arith.constant 0 : i32
        %dma_start3A_408 = arith.constant 0 : i32
        %dma_start3A_409 = tpu.memref_slice %arg2[%dma_start3A_407, %dma_start3A_408] : memref<1000000x64xf32, #tpu.memory_space<hbm>> -> memref<1000000x64xf32, #tpu.memory_space<hbm>>
        %dma_start3A_410 = tpu.memref_slice %arg7[%dma_start3A_401] : memref<4x!tpu.dma_semaphore, #tpu.memory_space<semaphore_mem>> -> memref<1x!tpu.dma_semaphore, #tpu.memory_space<semaphore_mem>>
        %dma_start3A_411 = tpu.memref_squeeze %dma_start3A_410 : memref<1x!tpu.dma_semaphore, #tpu.memory_space<semaphore_mem>> -> memref<!tpu.dma_semaphore, #tpu.memory_space<semaphore_mem>>
        tpu.enqueue_indirect_dma source(%dma_start3A_409 : memref<1000000x64xf32, #tpu.memory_space<hbm>>) target(%dma_start3A_405 : memref<128x64xf32, #tpu.memory_space<vmem>>) offsets(%dma_start3A_406 : memref<128xi32, #tpu.memory_space<vmem>>) semaphore(%dma_start3A_411 : memref<!tpu.dma_semaphore, #tpu.memory_space<semaphore_mem>>)
      } else {
      }
    }
    %scan3A_83 = arith.constant 25 : i32
    %dma_wait3A = arith.constant 0 : i32
    %dma_wait3A_84 = arith.constant 0 : i32
    %dma_wait3A_85 = arith.constant 0 : i32
    %dma_wait3A_86 = arith.constant 0 : i32
    %dma_wait3A_87 = tpu.memref_slice %arg6[%dma_wait3A, %dma_wait3A_85, %dma_wait3A_86] : memref<4x256x64xf32, #tpu.memory_space<vmem>> -> memref<1x256x64xf32, #tpu.memory_space<vmem>>
    %dma_wait3A_88 = tpu.memref_squeeze %dma_wait3A_87 : memref<1x256x64xf32, #tpu.memory_space<vmem>> -> memref<256x64xf32, #tpu.memory_space<vmem>>
    %dma_wait3A_89 = arith.constant 0 : i32
    %dma_wait3A_90 = arith.constant 0 : i32
    %dma_wait3A_91 = tpu.memref_slice %arg4[%dma_wait3A_89, %dma_wait3A_90] : memref<819200x64xf32, #tpu.memory_space<hbm>> -> memref<256x64xf32, #tpu.memory_space<hbm>>
    %dma_wait3A_92 = tpu.memref_slice %arg8[%dma_wait3A_84] : memref<4x!tpu.dma_semaphore, #tpu.memory_space<semaphore_mem>> -> memref<1x!tpu.dma_semaphore, #tpu.memory_space<semaphore_mem>>
    %dma_wait3A_93 = tpu.memref_squeeze %dma_wait3A_92 : memref<1x!tpu.dma_semaphore, #tpu.memory_space<semaphore_mem>> -> memref<!tpu.dma_semaphore, #tpu.memory_space<semaphore_mem>>
    %dma_wait3A_94 = arith.constant 0 : i32
    %dma_wait3A_95 = arith.constant 0 : i32
    %dma_wait3A_96 = tpu.memref_slice %arg4[%dma_wait3A_94, %dma_wait3A_95] : memref<819200x64xf32, #tpu.memory_space<hbm>> -> memref<256x64xf32, #tpu.memory_space<hbm>>
    %dma_wait3A_97 = arith.constant 0 : i32
    %dma_wait3A_98 = arith.constant 0 : i32
    %dma_wait3A_99 = tpu.memref_slice %arg6[%dma_wait3A, %dma_wait3A_97, %dma_wait3A_98] : memref<4x256x64xf32, #tpu.memory_space<vmem>> -> memref<1x256x64xf32, #tpu.memory_space<vmem>>
    %dma_wait3A_100 = tpu.memref_squeeze %dma_wait3A_99 : memref<1x256x64xf32, #tpu.memory_space<vmem>> -> memref<256x64xf32, #tpu.memory_space<vmem>>
    tpu.wait_dma2 semaphore(%dma_wait3A_93 : memref<!tpu.dma_semaphore, #tpu.memory_space<semaphore_mem>>) src(%dma_wait3A_100 : memref<256x64xf32, #tpu.memory_space<vmem>>) dst(%dma_wait3A_96 : memref<256x64xf32, #tpu.memory_space<hbm>>)
    %dma_wait3A_101 = arith.constant 1 : i32
    %dma_wait3A_102 = arith.constant 1 : i32
    %dma_wait3A_103 = arith.constant 0 : i32
    %dma_wait3A_104 = arith.constant 0 : i32
    %dma_wait3A_105 = tpu.memref_slice %arg6[%dma_wait3A_101, %dma_wait3A_103, %dma_wait3A_104] : memref<4x256x64xf32, #tpu.memory_space<vmem>> -> memref<1x256x64xf32, #tpu.memory_space<vmem>>
    %dma_wait3A_106 = tpu.memref_squeeze %dma_wait3A_105 : memref<1x256x64xf32, #tpu.memory_space<vmem>> -> memref<256x64xf32, #tpu.memory_space<vmem>>
    %dma_wait3A_107 = arith.constant 0 : i32
    %dma_wait3A_108 = arith.constant 0 : i32
    %dma_wait3A_109 = tpu.memref_slice %arg4[%dma_wait3A_107, %dma_wait3A_108] : memref<819200x64xf32, #tpu.memory_space<hbm>> -> memref<256x64xf32, #tpu.memory_space<hbm>>
    %dma_wait3A_110 = tpu.memref_slice %arg8[%dma_wait3A_102] : memref<4x!tpu.dma_semaphore, #tpu.memory_space<semaphore_mem>> -> memref<1x!tpu.dma_semaphore, #tpu.memory_space<semaphore_mem>>
    %dma_wait3A_111 = tpu.memref_squeeze %dma_wait3A_110 : memref<1x!tpu.dma_semaphore, #tpu.memory_space<semaphore_mem>> -> memref<!tpu.dma_semaphore, #tpu.memory_space<semaphore_mem>>
    %dma_wait3A_112 = arith.constant 0 : i32
    %dma_wait3A_113 = arith.constant 0 : i32
    %dma_wait3A_114 = tpu.memref_slice %arg4[%dma_wait3A_112, %dma_wait3A_113] : memref<819200x64xf32, #tpu.memory_space<hbm>> -> memref<256x64xf32, #tpu.memory_space<hbm>>
    %dma_wait3A_115 = arith.constant 0 : i32
    %dma_wait3A_116 = arith.constant 0 : i32
    %dma_wait3A_117 = tpu.memref_slice %arg6[%dma_wait3A_101, %dma_wait3A_115, %dma_wait3A_116] : memref<4x256x64xf32, #tpu.memory_space<vmem>> -> memref<1x256x64xf32, #tpu.memory_space<vmem>>
    %dma_wait3A_118 = tpu.memref_squeeze %dma_wait3A_117 : memref<1x256x64xf32, #tpu.memory_space<vmem>> -> memref<256x64xf32, #tpu.memory_space<vmem>>
    tpu.wait_dma2 semaphore(%dma_wait3A_111 : memref<!tpu.dma_semaphore, #tpu.memory_space<semaphore_mem>>) src(%dma_wait3A_118 : memref<256x64xf32, #tpu.memory_space<vmem>>) dst(%dma_wait3A_114 : memref<256x64xf32, #tpu.memory_space<hbm>>)
    %dma_wait3A_119 = arith.constant 2 : i32
    %dma_wait3A_120 = arith.constant 2 : i32
    %dma_wait3A_121 = arith.constant 0 : i32
    %dma_wait3A_122 = arith.constant 0 : i32
    %dma_wait3A_123 = tpu.memref_slice %arg6[%dma_wait3A_119, %dma_wait3A_121, %dma_wait3A_122] : memref<4x256x64xf32, #tpu.memory_space<vmem>> -> memref<1x256x64xf32, #tpu.memory_space<vmem>>
    %dma_wait3A_124 = tpu.memref_squeeze %dma_wait3A_123 : memref<1x256x64xf32, #tpu.memory_space<vmem>> -> memref<256x64xf32, #tpu.memory_space<vmem>>
    %dma_wait3A_125 = arith.constant 0 : i32
    %dma_wait3A_126 = arith.constant 0 : i32
    %dma_wait3A_127 = tpu.memref_slice %arg4[%dma_wait3A_125, %dma_wait3A_126] : memref<819200x64xf32, #tpu.memory_space<hbm>> -> memref<256x64xf32, #tpu.memory_space<hbm>>
    %dma_wait3A_128 = tpu.memref_slice %arg8[%dma_wait3A_120] : memref<4x!tpu.dma_semaphore, #tpu.memory_space<semaphore_mem>> -> memref<1x!tpu.dma_semaphore, #tpu.memory_space<semaphore_mem>>
    %dma_wait3A_129 = tpu.memref_squeeze %dma_wait3A_128 : memref<1x!tpu.dma_semaphore, #tpu.memory_space<semaphore_mem>> -> memref<!tpu.dma_semaphore, #tpu.memory_space<semaphore_mem>>
    %dma_wait3A_130 = arith.constant 0 : i32
    %dma_wait3A_131 = arith.constant 0 : i32
    %dma_wait3A_132 = tpu.memref_slice %arg4[%dma_wait3A_130, %dma_wait3A_131] : memref<819200x64xf32, #tpu.memory_space<hbm>> -> memref<256x64xf32, #tpu.memory_space<hbm>>
    %dma_wait3A_133 = arith.constant 0 : i32
    %dma_wait3A_134 = arith.constant 0 : i32
    %dma_wait3A_135 = tpu.memref_slice %arg6[%dma_wait3A_119, %dma_wait3A_133, %dma_wait3A_134] : memref<4x256x64xf32, #tpu.memory_space<vmem>> -> memref<1x256x64xf32, #tpu.memory_space<vmem>>
    %dma_wait3A_136 = tpu.memref_squeeze %dma_wait3A_135 : memref<1x256x64xf32, #tpu.memory_space<vmem>> -> memref<256x64xf32, #tpu.memory_space<vmem>>
    tpu.wait_dma2 semaphore(%dma_wait3A_129 : memref<!tpu.dma_semaphore, #tpu.memory_space<semaphore_mem>>) src(%dma_wait3A_136 : memref<256x64xf32, #tpu.memory_space<vmem>>) dst(%dma_wait3A_132 : memref<256x64xf32, #tpu.memory_space<hbm>>)
    %dma_wait3A_137 = arith.constant 3 : i32
    %dma_wait3A_138 = arith.constant 3 : i32
    %dma_wait3A_139 = arith.constant 0 : i32
    %dma_wait3A_140 = arith.constant 0 : i32
    %dma_wait3A_141 = tpu.memref_slice %arg6[%dma_wait3A_137, %dma_wait3A_139, %dma_wait3A_140] : memref<4x256x64xf32, #tpu.memory_space<vmem>> -> memref<1x256x64xf32, #tpu.memory_space<vmem>>
    %dma_wait3A_142 = tpu.memref_squeeze %dma_wait3A_141 : memref<1x256x64xf32, #tpu.memory_space<vmem>> -> memref<256x64xf32, #tpu.memory_space<vmem>>
    %dma_wait3A_143 = arith.constant 0 : i32
    %dma_wait3A_144 = arith.constant 0 : i32
    %dma_wait3A_145 = tpu.memref_slice %arg4[%dma_wait3A_143, %dma_wait3A_144] : memref<819200x64xf32, #tpu.memory_space<hbm>> -> memref<256x64xf32, #tpu.memory_space<hbm>>
    %dma_wait3A_146 = tpu.memref_slice %arg8[%dma_wait3A_138] : memref<4x!tpu.dma_semaphore, #tpu.memory_space<semaphore_mem>> -> memref<1x!tpu.dma_semaphore, #tpu.memory_space<semaphore_mem>>
    %dma_wait3A_147 = tpu.memref_squeeze %dma_wait3A_146 : memref<1x!tpu.dma_semaphore, #tpu.memory_space<semaphore_mem>> -> memref<!tpu.dma_semaphore, #tpu.memory_space<semaphore_mem>>
    %dma_wait3A_148 = arith.constant 0 : i32
    %dma_wait3A_149 = arith.constant 0 : i32
    %dma_wait3A_150 = tpu.memref_slice %arg4[%dma_wait3A_148, %dma_wait3A_149] : memref<819200x64xf32, #tpu.memory_space<hbm>> -> memref<256x64xf32, #tpu.memory_space<hbm>>
    %dma_wait3A_151 = arith.constant 0 : i32
    %dma_wait3A_152 = arith.constant 0 : i32
    %dma_wait3A_153 = tpu.memref_slice %arg6[%dma_wait3A_137, %dma_wait3A_151, %dma_wait3A_152] : memref<4x256x64xf32, #tpu.memory_space<vmem>> -> memref<1x256x64xf32, #tpu.memory_space<vmem>>
    %dma_wait3A_154 = tpu.memref_squeeze %dma_wait3A_153 : memref<1x256x64xf32, #tpu.memory_space<vmem>> -> memref<256x64xf32, #tpu.memory_space<vmem>>
    tpu.wait_dma2 semaphore(%dma_wait3A_147 : memref<!tpu.dma_semaphore, #tpu.memory_space<semaphore_mem>>) src(%dma_wait3A_154 : memref<256x64xf32, #tpu.memory_space<vmem>>) dst(%dma_wait3A_150 : memref<256x64xf32, #tpu.memory_space<hbm>>)
    return
  }
}

</mosaic_0001>

<sc_bundles>
// kernel: kernel.3.cloned.1.call-start
scs
__scs_entry_jumppad:
0x0: {  	(pc) =	sbr.rel $0x88, $3  }
0x1: {  	(tag) =	ssettag $0x0;
	lr =	simm.s32 $0x1  }
0x2: {  	[smem:$0x3F9F] =	sst lr;
	_ =	strace $0xD0000000  }
0x3: {  	_ = 	snop  }
0x4: {  	_ = 	snop  }
0x5: {  	_ = 	snop  }
0x6: {  	_ = 	snop  }
0x7: {  	_ = 	snop  }
__scs_overlays_trampoline_lowered:
0x8: {  	[smem:$0x3FAE] =	sst s0  }
0x9: {  	[smem:$0x3FAF] =	sst s1  }
0xa: {  	[smem:$0x3FB0] =	sst s2  }
0xb: {  	[smem:$0x3FB1] =	sst s3  }
0xc: {  	[smem:$0x3FB2] =	sst s4  }
0xd: {  	[smem:$0x3FB3] =	sst s5  }
0xe: {  	[smem:$0x3FB4] =	sst s6  }
0xf: {  	[smem:$0x3FB5] =	sst s7  }
0x10: {  	[smem:$0x3FB6] =	sst s8  }
0x11: {  	[smem:$0x3FB7] =	sst s9;
	s0 =	simm.s32 @!p0 $0x0  }
0x12: {  	s1 =	sld [smem:$0x3F9D];
	s0 =	simm.s32 @p0 $0x1  }
0x13: {  	[smem:$0x3FB8] =	sst s0;
	s0 =	simm.s32 @!p1 $0x0  }
0x14: {  	s2 =	sld [smem:$0x3F9C];
	s0 =	simm.s32 @p1 $0x1  }
0x15: {  	[smem:$0x3FB9] =	sst s0;
	s0 =	simm.s32 @!p2 $0x0  }
0x16: {  	s3 =	sld [smem:$0x3FDB];
	s0 =	simm.s32 @p2 $0x1  }
0x17: {  	s4 =	simm.s32 $0x1BF5;
	[smem:$0x3FBB] =	sst s0  }
0x18: {  	s0 =	sld [smem:$0x3F9E];
	_ =	swait.ge [sflag:s4], $0x0  }
0x19: {  	s7 =	sld [smem:$0x3F9F]  }
0x1a: {  	s8 =	sadd.s32 $0xFFFFE003, lr  }
0x1b: {  	s9 =	sadd.s32 $0xFFFFFEF7, lr;
	s5 =	simm.s32 $0xFFFFFFFF;
	p2 =	slt.u32 s8, $0xFFFFF086  }
0x1c: {  	p1 =	slt.u32 s9, $0xF7A;
	s5 =	simm.s32 @!p2 $0x0  }
0x1d: {  	s5 =	simm.s32 @p1 $0x1;
	p0 =	seq.s32 s7, s2  }
0x1e: {  	s7 =	smul.u32 @!p0 $0xF7A, s2;
	p2 =	seq.s32 @!p0 s5, $0x0  }
0x1f: {  	s9 =	smul.u32 $0xF7A, s1;
	s8 =	simm.s32 @!p0 $0x1BF5;
	p2 =	por !p2, p0  }
0x20: {  	[sflag:s8] =	ssyncset.s32 @!p0 $0xFFFFF086;
	s6 =	sadd.s32 @!p0 s3, s7;
	s7 =	simm.s32 @!p0 $0x108  }
0x21: {  	s3 =	sadd.s32 s3, s9;
	s6 =	sadd.s32 @!p0 $0x88, s6;
	s7 =	simm.s32 @p2 $0x1082  }
0x22: {  	[simem:s7], [sflag:s8] =	dma.local @!p0 [hbm:s6], $0xF7A  }
0x23: {  	s9 =	sor.u32 $0xD0000000, s2;
	s6 =	simm.s32 $0x108;
	_ =	swait.ge @!p0 [sflag:s8], $0x0  }
0x24: {  	s3 =	sadd.s32 $0x88, s3;
	s6 =	simm.s32 @!p1 $0x1082;
	[sflag:s4] =	ssyncset.s32 $0xFFFFF086  }
0x25: {  	[simem:s6], [sflag:s4] =	dma.local [hbm:s3], $0xF7A  }
0x26: {  	[smem:$0x3F9F] =	sst s1;
	(tag) =	ssettag s2;
	_ =	strace s9  }
0x27: {  	s1 =	sld [smem:$0x3FAF]  }
0x28: {  	s2 =	sld [smem:$0x3FB0]  }
0x29: {  	s4 =	sld [smem:$0x3FB2]  }
0x2a: {  	p0 =	seq.s32 s5, $0x0;
	s5 =	sld [smem:$0x3FB3]  }
0x2b: {  	s6 =	sld [smem:$0x3FB4]  }
0x2c: {  	s7 =	sld [smem:$0x3FB5]  }
0x2d: {  	s3 =	simm.s32 $0x108;
	s8 =	sld [smem:$0x3FB6]  }
0x2e: {  	s3 =	simm.s32 @!p0 $0x1082;
	s9 =	sld [smem:$0x3FB7]  }
0x2f: {  	lr =	sadd.s32 s0, s3;
	s0 =	sld [smem:$0x3FAE]  }
0x30: {  	s3 =	sld [smem:$0x3FB1]  }
0x31: {  	[smem:$0x3FBA] =	sst s10  }
0x32: {  	s10 =	sld [smem:$0x3FB8];
	_ =	sdelay $0x3  }
0x33: {  	p0 =	seq.s32 s10, $0x1;
	s10 =	sld [smem:$0x3FBA];
	_ =	sdelay $0x3  }
0x34: {  	[smem:$0x3FBA] =	sst s10  }
0x35: {  	s10 =	sld [smem:$0x3FB9];
	_ =	sdelay $0x3  }
0x36: {  	p1 =	seq.s32 s10, $0x1;
	s10 =	sld [smem:$0x3FBA];
	_ =	sdelay $0x3  }
0x37: {  	[smem:$0x3FBA] =	sst s10  }
0x38: {  	s10 =	sld [smem:$0x3FBB]  }
0x39: {  	_ = 	snop;
	(pc) =	sbr.ind lr, $3  }
0x3a: {  	_ = 	snop  }
0x3b: {  	_ = 	snop  }
0x3c: {  	p2 =	seq.s32 s10, $0x1;
	s10 =	sld [smem:$0x3FBA]  }
0x3d: {  	_ =	shalt  }
0x3e: {  	_ =	shalt  }
0x3f: {  	_ =	shalt  }
0x40: {  	_ =	shalt  }
0x41: {  	_ =	shalt  }
0x42: {  	_ =	shalt  }
0x43: {  	_ =	shalt  }
0x44: {  	_ =	shalt  }
0x45: {  	_ =	shalt  }
0x46: {  	_ =	shalt  }
0x47: {  	_ =	shalt  }
0x48: {  	_ =	shalt  }
0x49: {  	_ =	shalt  }
0x4a: {  	_ =	shalt  }
0x4b: {  	_ =	shalt  }
0x4c: {  	_ =	shalt  }
0x4d: {  	_ =	shalt  }
0x4e: {  	_ =	shalt  }
0x4f: {  	_ =	shalt  }
0x50: {  	_ =	shalt  }
0x51: {  	_ =	shalt  }
0x52: {  	_ =	shalt  }
0x53: {  	_ =	shalt  }
0x54: {  	_ =	shalt  }
0x55: {  	_ =	shalt  }
0x56: {  	_ =	shalt  }
0x57: {  	_ =	shalt  }
0x58: {  	_ =	shalt  }
0x59: {  	_ =	shalt  }
0x5a: {  	_ =	shalt  }
0x5b: {  	_ =	shalt  }
0x5c: {  	_ =	shalt  }
0x5d: {  	_ =	shalt  }
0x5e: {  	_ =	shalt  }
0x5f: {  	_ =	shalt  }
0x60: {  	_ =	shalt  }
0x61: {  	_ =	shalt  }
0x62: {  	_ =	shalt  }
0x63: {  	_ =	shalt  }
0x64: {  	_ =	shalt  }
0x65: {  	_ =	shalt  }
0x66: {  	_ =	shalt  }
0x67: {  	_ =	shalt  }
0x68: {  	_ =	shalt  }
0x69: {  	_ =	shalt  }
0x6a: {  	_ =	shalt  }
0x6b: {  	_ =	shalt  }
0x6c: {  	_ =	shalt  }
0x6d: {  	_ =	shalt  }
0x6e: {  	_ =	shalt  }
0x6f: {  	_ =	shalt  }
0x70: {  	_ =	shalt  }
0x71: {  	_ =	shalt  }
0x72: {  	_ =	shalt  }
0x73: {  	_ =	shalt  }
0x74: {  	_ =	shalt  }
0x75: {  	_ =	shalt  }
0x76: {  	_ =	shalt  }
0x77: {  	_ =	shalt  }
0x78: {  	_ =	shalt  }
0x79: {  	_ =	shalt  }
0x7a: {  	_ =	shalt  }
0x7b: {  	_ =	shalt  }
0x7c: {  	_ =	shalt  }
0x7d: {  	_ =	shalt  }
0x7e: {  	_ =	shalt  }
0x7f: {  	_ =	shalt  }
0x80: {  	_ =	shalt  }
0x81: {  	_ =	shalt  }
0x82: {  	_ =	shalt  }
0x83: {  	_ =	shalt  }
0x84: {  	_ =	shalt  }
0x85: {  	_ =	shalt  }
0x86: {  	_ =	shalt  }
0x87: {  	_ =	shalt  }
.Lfunc_end0:
.L_simem_size_0:
called_computation.1_lowered:
.L_overlay_start_0:
0x88: {  	s2 =	sld [smem:$0x3FD9]  }
0x89: {  	s3 =	sld [smem:$0x3FFE];
	_ =	sdelay $0x1  }
0x8a: {  	s1 =	srdreg.scid  }
0x8b: {  	s0 =	sand.u32 $0x1, s1  }
0x8c: {  	s17 =	sshll.u32 s0, $0xA;
	s2 =	sadd.s32 s3, s2  }
0x8d: {  	s2 =	sadd.s32 s2, s17  }
0x8e: {  	[smem:$0x3FC6] =	sst s2  }
0x8f: {  	_ = 	snop  }
0x90: {  	s2 =	sld [smem:$0x3FD0];
	(tm) =	ssettm $0x1  }
0x91: {  	s18 =	sld [smem:$0x3FFB];
	_ =	sdelay $0x3  }
0x92: {  	_ =	strace s18  }
0x93: {  	s3 =	sld [smem:$0x3FFC];
	_ =	sdelay $0x3  }
0x94: {  	_ =	strace s3  }
0x95: {  	s3 =	sld [smem:$0x3FFD];
	_ =	sdelay $0x3  }
0x96: {  	_ =	strace s3  }
0x97: {  	_ =	strace $0x8FFFFFFF  }
0x98: {  	s19 =	sld [smem:$0x3FDB];
	_ =	sdelay $0x1  }
0x99: {  	s4 =	simm.s32 $_scs_section_size  }
0x9a: {  	s5 =	simm.s32 $_size__tile_overlayer_lowered;
	s6 =	simm.s32 $_tile_overlayer_lowered  }
0x9b: {  	s22 =	simm.s32 $0x1BFF;
	s21 =	sshll.u32 s6, $0x1;
	s3 =	sadd.s32 s4, s19  }
0x9c: {  	s7 =	simm.s32 $0x0;
	s20 =	sshll.u32 s5, $0x1;
	s5 =	sadd.s32 s21, s3  }
0x9d: {  	[timem:s7], [sflag:s22] =	dma.local [hbm:s5], s20  }
0x9e: {  	_ =	swait.ge [sflag:s22], s20  }
0x9f: {  	s4 =	ssub.s32 $0x0, s20;
	[sflag:s22] =	ssyncset.done $0x0  }
0xa0: {  	[sflag:s22] =	ssyncadd.s32 s4;
	_ =	sdelay $0x1  }
0xa1: {  	s23 =	simm.s32 $0x1B8B  }
0xa2: {  	_ =	swait.ge [sflag:s23], $0x1  }
0xa3: {  	[sflag:s23] =	ssyncset.done $0x0  }
0xa4: {  	s25 =	simm.s32 $0x1B8E;
	s24 =	sld [smem:$0x3FFE];
	[sflag:s23] =	ssyncadd.s32 $0xFFFFFFFF  }
0xa5: {  	s26 =	simm.s32 $execute0_lowered;
	[smem:$0x3FD2] =	sst s25  }
0xa6: {  	s5 =	sshll.u32 s26, $0x1;
	_ =	strace $0x80000046;
	[dreg:$0x1] =	wrdreg $0xFFFFFFFF  }
0xa7: {  	s28 =	simm.s32 $_size_execute0_lowered;
	s3 =	sadd.s32 s3, s5;
	[dreg:$0x0] =	wrdreg $0x0  }
0xa8: {  	s5 =	sshll.u32 s28, $0x1;
	[dreg:$0x2] =	wrdreg s3  }
0xa9: {  	[dreg:$0x3] =	wrdreg s5  }
0xaa: {  	[dreg:$0x4] =	wrdreg $0xC0  }
0xab: {  	_ =	task [dreg:s7], $0x5FFFF  }
0xac: {  	[dreg:$0x1] =	wrdreg $0xFFFFFFFF  }
0xad: {  	[dreg:$0x0] =	wrdreg $0x60  }
0xae: {  	[dreg:$0x2] =	wrdreg s24  }
0xaf: {  	[dreg:$0x3] =	wrdreg s2  }
0xb0: {  	[dreg:$0x4] =	wrdreg $0x9  }
0xb1: {  	_ =	task.clear_ibuf [dreg:s7], $0x5FFFF;
	_ =	strace $0x90000046  }
0xb2: {  	s29 =	simm.s32 $0x9;
	_ =	strace $0x80000048  }
0xb3: {  	_ =	swait.ge [sflag:s29], $0x1  }
0xb4: {  	[sflag:s29] =	ssyncadd.s32 $0xFFFFFFFF  }
0xb5: {  	_ =	strace $0x90000048  }
0xb6: {  	_ =	sfence  }
0xb7: {  	s30 =	sld [smem:$0x0];
	_ =	sdelay $0x2  }
0xb8: {  	s31 =	sshll.u32 s1, $0xD;
	s1 =	sshrl.u32 s1, $0x2  }
0xb9: {  	s3 =	sand.u32 $0x4000, s31;
	s1 =	sadd.s32 s1, s30  }
0xba: {  	s0 =	sor.u32 s3, s0;
	s1 =	sshll.u32 s1, $0x11  }
0xbb: {  	s0 =	sor.u32 s1, s0  }
0xbc: {  	s0 =	sadd.s32 $0x8F2B, s0  }
0xbd: {  	[sflag:s0] =	ssyncadd.remote.s32 $0x1  }
0xbe: {  	_ =	sfence.sel $0xFFFF  }
0xbf: {  	[dreg:$0x0] =	wrdreg $0xFFFFFFFF;
	(pc) =	sbr.abs _section_cstart, $3  }
0xc0: {  	[dreg:$0x1] =	wrdreg $0xFFFFFFFF  }
0xc1: {  	_ =	task.clear_ibuf [dreg:s7], $0x2FFFF;
	_ =	strace $0x9FFFFFFF  }
0xc2: {  	(tm) =	ssettm $0x7FFFFFFF  }
0xc3: {  	_ =	shalt  }
tec
execute0_lowered:
.L_overlay_start_1:
0x0: {  	(tag) =	ssettag $0x1  }
0x1: {  	s0 =	srdreg.scid;
	s4 =	rddreg [dreg:$0x0]  }
0x2: {  	s1 =	stileid.u32;
	s2 =	rddreg [dreg:$0x1]  }
0x3: {  	s3 =	simm.s32 $0x0;
	s10 =	simm.s32 $0x9;
	s11 =	simm.s32 $0x80  }
0x4: {  	s12 =	simm.s32 $0x6400;
	s15 =	simm.s32 $0xA400;
	s19 =	simm.s32 $0xE400  }
0x5: {  	s21 =	simm.s32 $0x10400;
	s22 =	simm.s32 $0x1;
	s23 =	simm.s32 $0x12400  }
0x6: {  	s24 =	simm.s32 $0x14400;
	s25 =	simm.s32 $0x2;
	s26 =	simm.s32 $0x3  }
0x7: {  	s28 =	simm.s32 $0x4;
	s0 =	sand.u32 $0x1, s0;
	s1 =	sshll.u32 s1, $0x1  }
0x8: {  	s29 =	simm.s32 $0x5;
	s30 =	simm.s32 $0x6;
	s1 =	sor.u32 s0, s1  }
0x9: {  	s31 =	simm.s32 $0x7;
	s0 =	ssub.s32 $0x2, s0;
	s8 =	smul.u32 $0x6400, s1  }
.Ltmp0:
0xa: {  	[smem:$0x7FF] =	sst s3;
	s6 =	sshrl.u32 s0, $0x1;
	(pc) =	sbr.rel .LBB2_1-.Ltmp0, $4  }
0xb: {  	_ =	strace $0x80000047;
	s0 =	ssub.s32 s0, s6;
	s6 =	smul.u32 $0x190000, s1  }
0xc: {  	s1 =	simm.s32 $0x8;
	s5 =	sshrl.u32 s8, $0x3;
	s7 =	sor.u32 $0x100, s8  }
0xd: {  	s8 =	sor.u32 $0x200, s8;
	s9 =	smax.u32 s0, $0x1;
	s5 =	sadd.s32 s5, s4  }
0xe: {  	s0 =	simm.s32 $0x0;
	s4 =	sadd.s32 $0xF42E00, s4;
	s5 =	sadd.s32 $0xA00, s5  }
.LBB2_12:
0xf: {  	_ =	swait.ge [sflag:s29], $0x4000  }
0x10: {  	[sflag:s29] =	ssyncset.done $0x0  }
0x11: {  	[sflag:s29] =	ssyncadd.s32 $0xFFFFC000  }
0x12: {  	_ =	swait.ge [sflag:s30], $0x4000  }
0x13: {  	[sflag:s30] =	ssyncset.done $0x0  }
0x14: {  	s0 =	sadd.s32 $0x1, s0;
	[sflag:s30] =	ssyncadd.s32 $0xFFFFC000  }
0x15: {  	p0 =	sne.s32 s0, s9;
	_ =	swait.ge [sflag:s31], $0x4000  }
.Ltmp1:
0x16: {  	[sflag:s31] =	ssyncset.done $0x0;
	(pc) =	sbr.rel @!p0 .LBB2_13-.Ltmp1, $4  }
0x17: {  	[sflag:s31] =	ssyncadd.s32 $0xFFFFC000  }
0x18: {  	_ =	swait.ge [sflag:s1], $0x4000  }
0x19: {  	[sflag:s1] =	ssyncset.done $0x0  }
0x1a: {  	[sflag:s1] =	ssyncadd.s32 $0xFFFFC000  }
.LBB2_1:
0x1b: {  	[tilespmem:s3], [sflag:$0x9] =	stream.linear.gather [hbm4b:s5+s3], $0x6400, $0x38;
	[tilespmem:$0x16400] =	vst v63  }
0x1c: {  	_ =	swait.ge [sflag:s10], $0x6400  }
0x1d: {  	[sflag:s10] =	ssyncset.done $0x0  }
0x1e: {  	[sflag:s10] =	ssyncadd.s32 $0xFFFF9C00  }
0x1f: {  	[tilespmem:s12], [sflag:$0x1] =	stream.indirect.gather [hbm4b:s4+s11], $0x40, s3, s11, $0xb8;
	[tilespmem:$0x16400] =	vst v63  }
0x20: {  	s13 =	simm.s32 $0x8400  }
0x21: {  	[tilespmem:s13], [sflag:$0x1] =	stream.indirect.gather [hbm4b:s4+s11], $0x40, s11, s11, $0xb8;
	[tilespmem:$0x16400] =	vst v63  }
0x22: {  	s16 =	simm.s32 $0x100  }
0x23: {  	[tilespmem:s15], [sflag:$0x2] =	stream.indirect.gather [hbm4b:s4+s11], $0x40, s16, s11, $0xb8;
	[tilespmem:$0x16400] =	vst v63  }
0x24: {  	s17 =	simm.s32 $0x180;
	s14 =	simm.s32 $0xC400  }
0x25: {  	[tilespmem:s14], [sflag:$0x2] =	stream.indirect.gather [hbm4b:s4+s11], $0x40, s17, s11, $0xb8;
	[tilespmem:$0x16400] =	vst v63  }
0x26: {  	s18 =	simm.s32 $0x200  }
0x27: {  	[tilespmem:s19], [sflag:$0x3] =	stream.indirect.gather [hbm4b:s4+s11], $0x40, s18, s11, $0xb8;
	[tilespmem:$0x16400] =	vst v63  }
0x28: {  	s20 =	simm.s32 $0x280;
	s13 =	simm.s32 $0x0  }
0x29: {  	[tilespmem:s21], [sflag:$0x3] =	stream.indirect.gather [hbm4b:s4+s11], $0x40, s20, s11, $0xb8;
	[tilespmem:$0x16400] =	vst v63  }
.LBB2_2:
0x2a: {  	_ =	swait.ge [sflag:s22], $0x4000  }
0x2b: {  	[sflag:s22] =	ssyncset.done $0x0  }
0x2c: {  	s14 =	simm.s32 $0x0;
	[sflag:s22] =	ssyncadd.s32 $0xFFFFC000  }
0x2d: {  	v0 =	vld [tilespmem:s14+$0x6400]  }
0x2e: {  	v2 =	vld [tilespmem:s14+$0x6410]  }
0x2f: {  	s16 =	simm.s32 $0x100;
	v1 =	vld [tilespmem:s14+$0x6420]  }
.LBB2_3:
0x30: {  	p0 =	sne.s32 s16, $0xFF00;
	v3 =	vld [tilespmem:s14+$0x6430];
	_ =	sdelay $0x1  }
0x31: {  	v0 =	vmul.f32 $8.000000000e+00, v0  }
.Ltmp2:
0x32: {  	v2 =	vmul.f32 $8.000000000e+00, v2;
	(pc) =	sbr.rel @p0 .LBB2_3-.Ltmp2, $4  }
0x33: {  	s17 =	sshra.s32 s16, $0x2;
	[tilespmem:s14+$0x6400] =	vst v0;
	v1 =	vmul.f32 $8.000000000e+00, v1  }
0x34: {  	v0 =	vld [tilespmem:s17+$0x6400];
	[tilespmem:s14+$0x6410] =	vst v2;
	v3 =	vmul.f32 $8.000000000e+00, v3  }
0x35: {  	v2 =	vld [tilespmem:s17+$0x6410];
	[tilespmem:s14+$0x6420] =	vst v1  }
0x36: {  	s16 =	sadd.s32 $0x100, s16;
	v1 =	vld [tilespmem:s17+$0x6420];
	[tilespmem:s14+$0x6430] =	vst v3;
	s14 =	smov.u32 s17  }
0x37: {  	v3 =	vld [tilespmem:s14+$0x6430];
	_ =	sdelay $0x1  }
0x38: {  	v0 =	vmul.f32 $8.000000000e+00, v0  }
0x39: {  	v2 =	vmul.f32 $8.000000000e+00, v2  }
0x3a: {  	s16 =	sshll.u32 s13, $0x10;
	[tilespmem:s14+$0x6400] =	vst v0;
	v0 =	vmul.f32 $8.000000000e+00, v1  }
0x3b: {  	s16 =	sadd.s32 s6, s16;
	[tilespmem:s14+$0x6410] =	vst v2;
	v1 =	vmul.f32 $8.000000000e+00, v3  }
0x3c: {  	p0 =	seq.s32 s13, $0x0;
	s16 =	sshrl.u32 s16, $0x3;
	[tilespmem:s14+$0x6420] =	vst v0  }
0x3d: {  	s18 =	sadd.s32 s2, s16;
	s16 =	simm.s32 @!p0 $0x8;
	[tilespmem:s14+$0x6430] =	vst v1  }
0x3e: {  	[hbm4b:s18+s3] =	stream.linear.scatter [tilespmem:s12], [sflag:$0x5], $0x4000, $0x38;
	[tilespmem:$0x16400] =	vst v63  }
0x3f: {  	s14 =	sshllo.u32 s13, $0x2;
	_ =	swait.ge @!p0 [sflag:s16], $0x4000  }
0x40: {  	s17 =	sshll.u32 s14, $0x8;
	[sflag:s16] =	ssyncset.done @!p0 $0x0  }
0x41: {  	s20 =	sand.u32 $0x3FFFFF00, s17;
	[sflag:s16] =	ssyncadd.s32 @!p0 $0xFFFFC000  }
0x42: {  	[tilespmem:s23], [sflag:$0x4] =	stream.indirect.gather [hbm4b:s4+s11], $0x40, s20, s11, $0xb8;
	[tilespmem:$0x16400] =	vst v63  }
0x43: {  	s16 =	sor.u32 $0x80, s20  }
0x44: {  	[tilespmem:s24], [sflag:$0x4] =	stream.indirect.gather [hbm4b:s4+s11], $0x40, s16, s11, $0xb8;
	[tilespmem:$0x16400] =	vst v63  }
0x45: {  	_ =	swait.ge [sflag:s25], $0x4000  }
0x46: {  	[sflag:s25] =	ssyncset.done $0x0  }
0x47: {  	s17 =	simm.s32 $0xFFFFC000;
	[sflag:s25] =	ssyncadd.s32 $0xFFFFC000  }
0x48: {  	v1 =	vld [tilespmem:s17+$0xE400]  }
0x49: {  	v2 =	vld [tilespmem:s17+$0xE410]  }
0x4a: {  	s16 =	simm.s32 $0xFFFF0100;
	v0 =	vld [tilespmem:s17+$0xE420]  }
.LBB2_5:
0x4b: {  	p0 =	sne.s32 s16, $0xFFFFFF00;
	v3 =	vld [tilespmem:s17+$0xE430];
	_ =	sdelay $0x1  }
0x4c: {  	v1 =	vmul.f32 $8.000000000e+00, v1  }
.Ltmp3:
0x4d: {  	v2 =	vmul.f32 $8.000000000e+00, v2;
	(pc) =	sbr.rel @p0 .LBB2_5-.Ltmp3, $4  }
0x4e: {  	s18 =	sshra.s32 s16, $0x2;
	[tilespmem:s17+$0xE400] =	vst v1;
	v0 =	vmul.f32 $8.000000000e+00, v0  }
0x4f: {  	v1 =	vld [tilespmem:s18+$0xE400];
	[tilespmem:s17+$0xE410] =	vst v2;
	v3 =	vmul.f32 $8.000000000e+00, v3  }
0x50: {  	v2 =	vld [tilespmem:s18+$0xE410];
	[tilespmem:s17+$0xE420] =	vst v0  }
0x51: {  	s16 =	sadd.s32 $0x100, s16;
	v0 =	vld [tilespmem:s18+$0xE420];
	[tilespmem:s17+$0xE430] =	vst v3;
	s17 =	smov.u32 s18  }
0x52: {  	v3 =	vld [tilespmem:s17+$0xE430];
	_ =	sdelay $0x1  }
0x53: {  	v1 =	vmul.f32 $8.000000000e+00, v1  }
0x54: {  	s16 =	sshll.u32 s13, $0xA;
	v2 =	vmul.f32 $8.000000000e+00, v2  }
0x55: {  	s18 =	sadd.s32 s16, s7;
	[tilespmem:s17+$0xE400] =	vst v1;
	v0 =	vmul.f32 $8.000000000e+00, v0  }
0x56: {  	s18 =	sshll.u32 s18, $0x3;
	[tilespmem:s17+$0xE410] =	vst v2;
	v1 =	vmul.f32 $8.000000000e+00, v3  }
0x57: {  	p0 =	seq.s32 s13, $0x18;
	s18 =	sand.u32 $0x1FFFE800, s18;
	[tilespmem:s17+$0xE420] =	vst v0  }
0x58: {  	s20 =	sadd.s32 s2, s18;
	[tilespmem:s17+$0xE430] =	vst v1;
	s17 =	simm.s32 @!p0 $0x5  }
0x59: {  	[hbm4b:s20+s3] =	stream.linear.scatter [tilespmem:s15], [sflag:$0x6], $0x4000, $0x38;
	[tilespmem:$0x16400] =	vst v63  }
0x5a: {  	_ =	swait.ge @!p0 [sflag:s17], $0x4000  }
0x5b: {  	s18 =	simm.s32 @!p0 $0x80;
	[sflag:s17] =	ssyncset.done @!p0 $0x0  }
0x5c: {  	s20 =	simm.s32 @!p0 $0x6400;
	[sflag:s17] =	ssyncadd.s32 @!p0 $0xFFFFC000;
	s17 =	sadd.s32 @!p0 $0x400, s16  }
0x5d: {  	[tilespmem:s20], [sflag:$0x1] =	stream.indirect.gather @!p0 [hbm4b:s4+s18], $0x40, s17, s18, $0xb8;
	[tilespmem:$0x16400] =	vst v63  }
0x5e: {  	s17 =	sadd.s32 @!p0 $0x480, s16;
	s20 =	simm.s32 @!p0 $0x8400  }
0x5f: {  	[tilespmem:s20], [sflag:$0x1] =	stream.indirect.gather @!p0 [hbm4b:s4+s18], $0x40, s17, s18, $0xb8;
	[tilespmem:$0x16400] =	vst v63  }
0x60: {  	_ =	swait.ge [sflag:s26], $0x4000  }
0x61: {  	[sflag:s26] =	ssyncset.done $0x0  }
0x62: {  	s17 =	simm.s32 $0xFFFFC000;
	[sflag:s26] =	ssyncadd.s32 $0xFFFFC000  }
0x63: {  	v0 =	vld [tilespmem:s17+$0x12400]  }
0x64: {  	v2 =	vld [tilespmem:s17+$0x12410]  }
0x65: {  	s18 =	simm.s32 $0xFFFF0100;
	v1 =	vld [tilespmem:s17+$0x12420]  }
.LBB2_7:
0x66: {  	p1 =	sne.s32 s18, $0xFFFFFF00;
	v3 =	vld [tilespmem:s17+$0x12430];
	_ =	sdelay $0x1  }
0x67: {  	v0 =	vmul.f32 $8.000000000e+00, v0  }
.Ltmp4:
0x68: {  	v2 =	vmul.f32 $8.000000000e+00, v2;
	(pc) =	sbr.rel @p1 .LBB2_7-.Ltmp4, $4  }
0x69: {  	s20 =	sshra.s32 s18, $0x2;
	[tilespmem:s17+$0x12400] =	vst v0;
	v1 =	vmul.f32 $8.000000000e+00, v1  }
0x6a: {  	v0 =	vld [tilespmem:s20+$0x12400];
	[tilespmem:s17+$0x12410] =	vst v2;
	v3 =	vmul.f32 $8.000000000e+00, v3  }
0x6b: {  	v2 =	vld [tilespmem:s20+$0x12410];
	[tilespmem:s17+$0x12420] =	vst v1  }
0x6c: {  	s18 =	sadd.s32 $0x100, s18;
	v1 =	vld [tilespmem:s20+$0x12420];
	[tilespmem:s17+$0x12430] =	vst v3;
	s17 =	smov.u32 s20  }
0x6d: {  	v3 =	vld [tilespmem:s17+$0x12430];
	_ =	sdelay $0x1  }
0x6e: {  	v0 =	vmul.f32 $8.000000000e+00, v0  }
0x6f: {  	v2 =	vmul.f32 $8.000000000e+00, v2  }
0x70: {  	s18 =	sadd.s32 s16, s8;
	[tilespmem:s17+$0x12400] =	vst v0;
	v0 =	vmul.f32 $8.000000000e+00, v1  }
0x71: {  	s18 =	sshll.u32 s18, $0x3;
	[tilespmem:s17+$0x12410] =	vst v2;
	v1 =	vmul.f32 $8.000000000e+00, v3  }
0x72: {  	s18 =	sand.u32 $0x1FFFF000, s18;
	[tilespmem:s17+$0x12420] =	vst v0  }
0x73: {  	s20 =	sadd.s32 s2, s18;
	[tilespmem:s17+$0x12430] =	vst v1;
	s17 =	simm.s32 @!p0 $0x6  }
0x74: {  	[hbm4b:s20+s3] =	stream.linear.scatter [tilespmem:s19], [sflag:$0x7], $0x4000, $0x38;
	[tilespmem:$0x16400] =	vst v63  }
0x75: {  	_ =	swait.ge @!p0 [sflag:s17], $0x4000  }
0x76: {  	s18 =	simm.s32 @!p0 $0x80;
	[sflag:s17] =	ssyncset.done @!p0 $0x0  }
0x77: {  	s20 =	simm.s32 @!p0 $0xA400;
	[sflag:s17] =	ssyncadd.s32 @!p0 $0xFFFFC000;
	s17 =	sadd.s32 @!p0 $0x500, s16  }
0x78: {  	[tilespmem:s20], [sflag:$0x2] =	stream.indirect.gather @!p0 [hbm4b:s4+s18], $0x40, s17, s18, $0xb8;
	[tilespmem:$0x16400] =	vst v63  }
0x79: {  	s17 =	sadd.s32 @!p0 $0x580, s16;
	s20 =	simm.s32 @!p0 $0xC400  }
0x7a: {  	[tilespmem:s20], [sflag:$0x2] =	stream.indirect.gather @!p0 [hbm4b:s4+s18], $0x40, s17, s18, $0xb8;
	[tilespmem:$0x16400] =	vst v63  }
0x7b: {  	_ =	swait.ge [sflag:s28], $0x4000  }
0x7c: {  	[sflag:s28] =	ssyncset.done $0x0  }
0x7d: {  	s17 =	simm.s32 $0xFFFFC000;
	[sflag:s28] =	ssyncadd.s32 $0xFFFFC000  }
0x7e: {  	v0 =	vld [tilespmem:s17+$0x16400]  }
0x7f: {  	v2 =	vld [tilespmem:s17+$0x16410]  }
0x80: {  	s18 =	simm.s32 $0xFFFF0100;
	v1 =	vld [tilespmem:s17+$0x16420]  }
.LBB2_9:
0x81: {  	p1 =	sne.s32 s18, $0xFFFFFF00;
	v3 =	vld [tilespmem:s17+$0x16430];
	_ =	sdelay $0x1  }
0x82: {  	v0 =	vmul.f32 $8.000000000e+00, v0  }
.Ltmp5:
0x83: {  	v2 =	vmul.f32 $8.000000000e+00, v2;
	(pc) =	sbr.rel @p1 .LBB2_9-.Ltmp5, $4  }
0x84: {  	s20 =	sshra.s32 s18, $0x2;
	[tilespmem:s17+$0x16400] =	vst v0;
	v1 =	vmul.f32 $8.000000000e+00, v1  }
0x85: {  	v0 =	vld [tilespmem:s20+$0x16400];
	[tilespmem:s17+$0x16410] =	vst v2;
	v3 =	vmul.f32 $8.000000000e+00, v3  }
0x86: {  	v2 =	vld [tilespmem:s20+$0x16410];
	[tilespmem:s17+$0x16420] =	vst v1  }
0x87: {  	s18 =	sadd.s32 $0x100, s18;
	v1 =	vld [tilespmem:s20+$0x16420];
	[tilespmem:s17+$0x16430] =	vst v3;
	s17 =	smov.u32 s20  }
0x88: {  	v3 =	vld [tilespmem:s17+$0x16430];
	_ =	sdelay $0x1  }
0x89: {  	v0 =	vmul.f32 $8.000000000e+00, v0  }
0x8a: {  	v2 =	vmul.f32 $8.000000000e+00, v2  }
.Ltmp6:
0x8b: {  	s14 =	sshll.u32 s14, $0xE;
	[tilespmem:s17+$0x16400] =	vst v0;
	v62 =	vmul.f32 $8.000000000e+00, v1;
	(pc) =	sbr.rel @p0 .LBB2_12-.Ltmp6, $4  }
0x8c: {  	s14 =	sadd.s32 s6, s14;
	[tilespmem:s17+$0x16410] =	vst v2;
	v63 =	vmul.f32 $8.000000000e+00, v3  }
0x8d: {  	s14 =	sshrl.u32 s14, $0x3;
	[tilespmem:s17+$0x16420] =	vst v62  }
0x8e: {  	s14 =	sadd.s32 s2, s14;
	[tilespmem:s17+$0x16430] =	vst v63  }
0x8f: {  	[hbm4b:s14+s3] =	stream.linear.scatter [tilespmem:s23], [sflag:$0x8], $0x4000, $0x38;
	[tilespmem:$0x16400] =	vst v63  }
0x90: {  	_ =	swait.ge [sflag:s31], $0x4000  }
.Ltmp7:
0x91: {  	[sflag:s31] =	ssyncset.done $0x0;
	(pc) =	sbr.rel .LBB2_2-.Ltmp7, $4  }
0x92: {  	s14 =	sadd.s32 $0x600, s16;
	[sflag:s31] =	ssyncadd.s32 $0xFFFFC000  }
0x93: {  	[tilespmem:s19], [sflag:$0x3] =	stream.indirect.gather [hbm4b:s4+s11], $0x40, s14, s11, $0xb8;
	[tilespmem:$0x16400] =	vst v63  }
0x94: {  	s20 =	sadd.s32 $0x680, s16;
	s13 =	sadd.s32 $0x1, s13  }
0x95: {  	[tilespmem:s21], [sflag:$0x3] =	stream.indirect.gather [hbm4b:s4+s11], $0x40, s20, s11, $0xb8;
	[tilespmem:$0x16400] =	vst v63  }
.LBB2_13:
0x96: {  	_ =	sfence.sel $0x180000  }
0x97: {  	[bflag:$0x0] =	sbarrier.arrive $0xFFFF  }
0x98: {  	_ =	strace $0x90000047  }
0x99: {  	s0 =	stileid.u32;
	[bflag:$0x2] =	sbarrier.arrive $0xFFFF  }
0x9a: {  	p0 =	sne.s32 s0, $0x0;
	s0 =	rddreg [dreg:$0x2]  }
0x9b: {  	s0 =	sadd.s32 @!p0 $0x100000, s0  }
0x9c: {  	[sflag:s0] =	ssyncadd.tile.s32 @!p0 $0x1;
	_ =	shalt  }
.Lfunc_end2:
_tile_overlayer_lowered:
.L_overlay_start_2:
0x9d: {  	(tag) =	ssettag $0x2  }
0x9e: {  	s0 =	rddreg [dreg:$0x0];
	s2 =	stileid.u32  }
0x9f: {  	s1 =	rddreg [dreg:$0x1];
	p0 =	sne.s32 s2, $0x0  }
0xa0: {  	s3 =	rddreg [dreg:$0x2];
	[bflag:$0x3] =	sbarrier.arrive $0xFFFF;
	s2 =	simm.s32 @!p0 $0x1C09  }
0xa1: {  	[timem:s3], [sflag:s2] =	dma.local @!p0 [hbm:s0], s1  }
0xa2: {  	s0 =	simm.s32 @!p0 $0x9  }
0xa3: {  	_ =	swait.ge @!p0 [sflag:s0], s1  }
0xa4: {  	s1 =	ssub.s32 @!p0 $0x0, s1;
	[sflag:s0] =	ssyncset.done @!p0 $0x0  }
0xa5: {  	[sflag:s0] =	ssyncadd.s32 @!p0 s1  }
0xa6: {  	[bflag:$0x3] =	sbarrier.arrive $0xFFFF  }
0xa7: {  	_ =	shalt  }

// kernel: sparse-core-data-format-call.cloned.1.call-start
scs
called_computation_lowered:
.L_overlay_start_0:
0x0: {  	s2 =	sld [smem:$0x3FD9]  }
0x1: {  	s3 =	sld [smem:$0x3FFE];
	_ =	sdelay $0x1  }
0x2: {  	s1 =	srdreg.scid  }
0x3: {  	s0 =	sand.u32 $0x1, s1  }
0x4: {  	s18 =	sshll.u32 s0, $0xA;
	s2 =	sadd.s32 s3, s2  }
0x5: {  	s2 =	sadd.s32 s2, s18  }
0x6: {  	[smem:$0x3FC6] =	sst s2  }
0x7: {  	_ = 	snop  }
0x8: {  	s2 =	sld [smem:$0x3FD0];
	(tm) =	ssettm $0x1  }
0x9: {  	s19 =	sld [smem:$0x3FFB];
	_ =	sdelay $0x3  }
0xa: {  	_ =	strace s19  }
0xb: {  	s3 =	sld [smem:$0x3FFC];
	_ =	sdelay $0x3  }
0xc: {  	_ =	strace s3  }
0xd: {  	s3 =	sld [smem:$0x3FFD];
	_ =	sdelay $0x3  }
0xe: {  	_ =	strace s3  }
0xf: {  	_ =	strace $0x8FFFFFFF  }
0x10: {  	s20 =	sld [smem:$0x3FDB];
	_ =	sdelay $0x1  }
0x11: {  	s4 =	simm.s32 $_scs_section_size  }
0x12: {  	s5 =	simm.s32 $_size__tile_overlayer_lowered;
	s6 =	simm.s32 $_tile_overlayer_lowered  }
0x13: {  	s23 =	simm.s32 $0x1BFF;
	s22 =	sshll.u32 s6, $0x1;
	s3 =	sadd.s32 s4, s20  }
0x14: {  	s7 =	simm.s32 $0x0;
	s21 =	sshll.u32 s5, $0x1;
	s5 =	sadd.s32 s22, s3  }
0x15: {  	[timem:s7], [sflag:s23] =	dma.local [hbm:s5], s21  }
0x16: {  	_ =	swait.ge [sflag:s23], s21  }
0x17: {  	s4 =	ssub.s32 $0x0, s21;
	[sflag:s23] =	ssyncset.done $0x0  }
0x18: {  	[sflag:s23] =	ssyncadd.s32 s4;
	_ =	sdelay $0x1  }
0x19: {  	s24 =	simm.s32 $0x1B8B  }
0x1a: {  	_ =	swait.ge [sflag:s24], $0x1  }
0x1b: {  	[sflag:s24] =	ssyncset.done $0x0  }
0x1c: {  	s26 =	simm.s32 $0x1B8E;
	s25 =	sld [smem:$0x3FFE];
	[sflag:s24] =	ssyncadd.s32 $0xFFFFFFFF  }
0x1d: {  	s27 =	simm.s32 $execute0_lowered;
	[smem:$0x3FD2] =	sst s26  }
0x1e: {  	s5 =	sshll.u32 s27, $0x1;
	_ =	strace $0x80000049;
	[dreg:$0x1] =	wrdreg $0xFFFFFFFF  }
0x1f: {  	s28 =	simm.s32 $_size_execute0_lowered;
	s3 =	sadd.s32 s3, s5;
	[dreg:$0x0] =	wrdreg $0x0  }
0x20: {  	s5 =	sshll.u32 s28, $0x1;
	[dreg:$0x2] =	wrdreg s3  }
0x21: {  	[dreg:$0x3] =	wrdreg s5  }
0x22: {  	[dreg:$0x4] =	wrdreg $0xC0  }
0x23: {  	_ =	task [dreg:s7], $0x5FFFF  }
0x24: {  	[dreg:$0x1] =	wrdreg $0xFFFFFFFF  }
0x25: {  	[dreg:$0x0] =	wrdreg $0x60  }
0x26: {  	[dreg:$0x2] =	wrdreg s25  }
0x27: {  	[dreg:$0x3] =	wrdreg s2  }
0x28: {  	[dreg:$0x4] =	wrdreg $0x9  }
0x29: {  	_ =	task.clear_ibuf [dreg:s7], $0x5FFFF;
	_ =	strace $0x90000049  }
0x2a: {  	s29 =	simm.s32 $0x9;
	_ =	strace $0x8000004B  }
0x2b: {  	_ =	swait.ge [sflag:s29], $0x1  }
0x2c: {  	[sflag:s29] =	ssyncadd.s32 $0xFFFFFFFF  }
0x2d: {  	_ =	strace $0x9000004B  }
0x2e: {  	_ =	sfence  }
0x2f: {  	s30 =	sld [smem:$0x0];
	_ =	sdelay $0x2  }
0x30: {  	s31 =	sshll.u32 s1, $0xD;
	s1 =	sshrl.u32 s1, $0x2  }
0x31: {  	s3 =	sand.u32 $0x4000, s31;
	s1 =	sadd.s32 s1, s30  }
0x32: {  	s0 =	sor.u32 s3, s0;
	s1 =	sshll.u32 s1, $0x11  }
0x33: {  	s0 =	sor.u32 s1, s0  }
0x34: {  	s0 =	sadd.s32 $0x8F2B, s0  }
0x35: {  	[sflag:s0] =	ssyncadd.remote.s32 $0x1  }
0x36: {  	_ =	sfence.sel $0xFFFF  }
0x37: {  	[dreg:$0x0] =	wrdreg $0xFFFFFFFF;
	(pc) =	sbr.abs _section_cstart, $3  }
0x38: {  	[dreg:$0x1] =	wrdreg $0xFFFFFFFF  }
0x39: {  	_ =	task.clear_ibuf [dreg:s7], $0x2FFFF;
	_ =	strace $0x9FFFFFFF  }
0x3a: {  	(tm) =	ssettm $0x7FFFFFFF  }
0x3b: {  	_ =	shalt  }
tec
execute0_lowered:
.L_overlay_start_1:
0x0: {  	(tag) =	ssettag $0x1  }
0x1: {  	s0 =	srdreg.scid  }
0x2: {  	s1 =	sshll.u32 s0, $0x4  }
0x3: {  	s0 =	stileid.u32;
	s1 =	sand.u32 $0x10, s1  }
0x4: {  	s1 =	sor.u32 s0, s1  }
0x5: {  	s6 =	rddreg [dreg:$0x0];
	s4 =	simm.s32 $0x1;
	s2 =	sshll.u32 s1, $0x7  }
0x6: {  	s7 =	simm.s32 $0x2;
	s12 =	simm.s32 $0x0;
	s1 =	ssub.s32 $0x1000, s2  }
0x7: {  	s8 =	simm.s32 $0x8000;
	s13 =	simm.s32 $0x0;
	s3 =	sand.u32 $0xF80, s1  }
0x8: {  	s9 =	simm.s32 $0x0;
	s5 =	sshrl.u32 s1, $0xC;
	p0 =	sne.s32 s3, $0x0  }
.Ltmp0:
0x9: {  	s1 =	rddreg [dreg:$0x2];
	s4 =	simm.s32 @!p0 $0x0;
	(pc) =	sbr.rel .LBB1_1-.Ltmp0, $4  }
0xa: {  	s11 =	simm.s32 $0x0;
	s3 =	rddreg [dreg:$0x1];
	s5 =	sadd.s32 s4, s5  }
0xb: {  	_ =	strace $0x8000004A;
	s4 =	simm.s32 $0x1;
	s5 =	smul.u32 $0xC8, s5  }
0xc: {  	s6 =	sadd.s32 $0xA00, s6;
	s10 =	smov.u32 s2;
	[sflag:s4] =	ssyncpa.u1 $0x0  }
0xd: {  	p0 =	por $0x0, $0x0;
	[sflag:s7] =	ssyncpa.u1 $0x0;
	s7 =	sor.u32 $0x1, s5  }
.LBB1_4:
0xe: {  	s16 =	sshll.u32 s13, $0x3;
	s17 =	sand.u32 $0x78, s13  }
0xf: {  	s30 =	sand.u32 $0x7E00, s13;
	s12 =	sshll.u32 s12, $0xF;
	s16 =	sand.u32 $0xC00, s16  }
0x10: {  	[tilespmem:s15+$0x810 ss:$0x81] =	vst.msk $0xffff, v2;
	s31 =	sand.u32 $0x7, s13;
	s16 =	sor.u32 s17, s16;
	s17 =	sadd.s32 s3, s30  }
0x11: {  	[tilespmem:s15+$0x1020 ss:$0x81] =	vst.msk $0xffff, v0;
	s13 =	sshll.u32 s31, $0x12;
	s12 =	sadd.s32 s12, s17;
	s16 =	sshrl.u32 s16, $0x3  }
0x12: {  	[tilespmem:s15+$0x0 ss:$0x81] =	vst.msk $0xffff, v1;
	s13 =	sor.u32 $0x400, s13;
	s12 =	sadd.s32 s16, s12  }
0x13: {  	[hbm4b:s12+s13] =	stream.strided.scatter [tilespmem:s14], [sflag:$0x2], $0x2000, s8, s13, $0x20;
	[tilespmem:$0x8080] =	vst v63  }
.LBB1_5:
0x14: {  	s14 =	sadd.s32 $0x1, s9  }
0x15: {  	s12 =	sadd.s32 $0x1000, s10;
	s16 =	smov.u32 s10;
	p2 =	sgt.s32 s14, $0xC7  }
0x16: {  	s16 =	smov.u32 @p2 s12  }
0x17: {  	s14 =	simm.s32 @p2 $0x0;
	p2 =	sgt.s32 s16, $0xFFF  }
0x18: {  	s16 =	smov.u32 @p2 s2;
	p2 =	sne.s32 s11, s7  }
.Ltmp1:
0x19: {  	p1 =	slt.u32 s11, $0x2;
	(pc) =	sbr.rel @!p2 .LBB1_6-.Ltmp1, $4  }
0x1a: {  	s15 =	simm.s32 @!p1 $0x2  }
0x1b: {  	s13 =	smov.u32 s10;
	p0 =	por !p0, !p0;
	_ =	swait.ge @!p1 [sflag:s15], $0x2000  }
0x1c: {  	s12 =	smov.u32 s9;
	[sflag:s15] =	ssyncset.done @!p1 $0x0;
	s9 =	smov.u32 s14  }
0x1d: {  	s11 =	sadd.s32 $0x1, s11;
	[sflag:s15] =	ssyncadd.s32 @!p1 $0xFFFFE000;
	s10 =	smov.u32 s16  }
.LBB1_1:
0x1e: {  	p1 =	sge.u32 s11, s5  }
0x1f: {  	s14 =	sand.u32 @!p1 $0x1FFFFFF, s9  }
0x20: {  	s15 =	smulhi.u32 @!p1 $0x147AE15, s14;
	_ =	sdelay $0x1  }
0x21: {  	s15 =	smul.u32 @!p1 $0xC8, s15  }
0x22: {  	s16 =	sxor.u32 @!p1 $0xFFFFFFFF, s11;
	s17 =	smul.u32 @!p1 $0xC80, s10  }
0x23: {  	s31 =	sadd.s32 $0xFFFFFFFF, s11;
	s16 =	sshll.u32 @!p1 s16, $0xD;
	s14 =	ssub.s32 @!p1 s14, s15  }
0x24: {  	s15 =	sand.u32 @!p1 $0x2000, s16;
	s16 =	sadd.s32 @!p1 s6, s17;
	s14 =	sshll.u32 @!p1 s14, $0x4  }
0x25: {  	s17 =	simm.s32 @!p1 $0x6400;
	s14 =	sadd.s32 @!p1 s14, s16;
	s16 =	simm.s32 @!p1 $0x40  }
0x26: {  	[tilespmem:s15], [sflag:$0x1] =	stream.strided.gather @!p1 [hbm4b:s14+s16], $0x2000, s17, s16, $0x38;
	[tilespmem:$0x8080] =	vst v63  }
0x27: {  	p1 =	sge.u32 s31, s5  }
.Ltmp2:
0x28: {  	_ = 	snop;
	(pc) =	sbr.rel @p1 .LBB1_5-.Ltmp2, $1  }
0x29: {  	_ =	sdelay $0x3  }
0x2a: {  	s14 =	simm.s32 $0x1  }
0x2b: {  	_ =	swait.ge [sflag:s4], $0x2000;
	s14 =	simm.s32 @!p0 $0x0  }
0x2c: {  	[sflag:s4] =	ssyncset.done $0x0;
	s15 =	sshll.u32 s14, $0xD  }
0x2d: {  	[sflag:s4] =	ssyncadd.s32 $0xFFFFE000;
	s18 =	sor.u32 $0x20, s15  }
0x2e: {  	s14 =	smul.u32 $0x8100, s14;
	v3 =	vld [tilespmem:s18+$0x10]  }
0x2f: {  	s30 =	sand.u32 $0x1, s11;
	v2 =	vld [tilespmem:s18+$0xFFFFFFF0]  }
0x30: {  	s15 =	smul.u32 $0x8100, s30;
	s14 =	sshrl.u32 s14, $0x2;
	v0 =	vld [tilespmem:s18+$0x0]  }
0x31: {  	v1 =	vld [tilespmem:s18+$0xFFFFFFE0];
	s16 =	sor.u32 $0x4000, s14  }
0x32: {  	s31 =	sshrl.u32 s15, $0x2;
	s15 =	sadd.s32 $0x0, s16  }
0x33: {  	s17 =	simm.s32 $0x4;
	s18 =	sadd.s32 $0x40, s18;
	s14 =	sor.u32 $0x4000, s31;
	[tilespmem:s15+$0x1830 ss:$0x81] =	vst.msk $0xffff, v3  }
.LBB1_3:
0x34: {  	v3 =	vld [tilespmem:s18+$0x10];
	p1 =	sne.s32 s17, $0x1FC;
	[tilespmem:s15+$0x810 ss:$0x81] =	vst.msk $0xffff, v2;
	s19 =	smov.u32 s17;
	s17 =	sadd.s32 $0x4, s17  }
.Ltmp3:
0x35: {  	v2 =	vld [tilespmem:s18+$0xFFFFFFF0];
	[tilespmem:s15+$0x1020 ss:$0x81] =	vst.msk $0xffff, v0;
	(pc) =	sbr.rel @p1 .LBB1_3-.Ltmp3, $4  }
0x36: {  	v0 =	vld [tilespmem:s18+$0x0];
	[tilespmem:s15+$0x0 ss:$0x81] =	vst.msk $0xffff, v1  }
0x37: {  	s15 =	sshra.s32 s19, $0x2;
	v1 =	vld [tilespmem:s18+$0xFFFFFFE0]  }
0x38: {  	s15 =	sadd.s32 s15, s16  }
0x39: {  	s18 =	sadd.s32 $0x40, s18;
	[tilespmem:s15+$0x1830 ss:$0x81] =	vst.msk $0xffff, v3  }
.Ltmp4:
0x3a: {  	_ = 	snop;
	(pc) =	sbr.rel .LBB1_4-.Ltmp4, $1  }
0x3b: {  	_ =	sdelay $0x3  }
.LBB1_6:
0x3c: {  	_ =	sfence.sel $0x180000  }
0x3d: {  	s2 =	simm.s32 $0x1;
	[bflag:$0x0] =	sbarrier.arrive $0xFFFF  }
0x3e: {  	s31 =	simm.s32 $0x2;
	[sflag:s2] =	ssyncpa.u1 $0x1  }
0x3f: {  	[sflag:s31] =	ssyncpa.u1 $0x1  }
0x40: {  	p0 =	sne.s32 s0, $0x0;
	_ =	strace $0x9000004A  }
0x41: {  	s0 =	sadd.s32 @!p0 $0x100000, s1;
	[bflag:$0x2] =	sbarrier.arrive $0xFFFF  }
0x42: {  	[sflag:s0] =	ssyncadd.tile.s32 @!p0 $0x1;
	_ =	shalt  }
.Lfunc_end1:
_tile_overlayer_lowered:
.L_overlay_start_2:
0x43: {  	(tag) =	ssettag $0x2  }
0x44: {  	s0 =	rddreg [dreg:$0x0];
	s2 =	stileid.u32  }
0x45: {  	s1 =	rddreg [dreg:$0x1];
	p0 =	sne.s32 s2, $0x0  }
0x46: {  	s3 =	rddreg [dreg:$0x2];
	[bflag:$0x3] =	sbarrier.arrive $0xFFFF;
	s2 =	simm.s32 @!p0 $0x1C01  }
0x47: {  	[timem:s3], [sflag:s2] =	dma.local @!p0 [hbm:s0], s1  }
0x48: {  	s0 =	simm.s32 @!p0 $0x1  }
0x49: {  	_ =	swait.ge @!p0 [sflag:s0], s1  }
0x4a: {  	s1 =	ssub.s32 @!p0 $0x0, s1;
	[sflag:s0] =	ssyncset.done @!p0 $0x0  }
0x4b: {  	[sflag:s0] =	ssyncadd.s32 @!p0 s1  }
0x4c: {  	[bflag:$0x3] =	sbarrier.arrive $0xFFFF  }
0x4d: {  	_ =	shalt  }

</sc_bundles>
